<compile_context>
chip_gen: v7x
topology: tpu7x:2x2x1
jax: 0.10.2.dev20260603
libtpu: 0.0.44.dev20260713+nightly
codegen_flags: <defaults>
</compile_context>

<pallas_src>
import functools

import jax
import jax.numpy as jnp
from jax import lax
from jax.experimental import pallas as pl
from jax.experimental.pallas import tpu as pltpu
from jax.experimental.pallas import tpu_sc as plsc

_NUM_CORES = 2
_NUM_SUBCORES = 16
_NW = _NUM_CORES * _NUM_SUBCORES
_LANES = 16


@functools.lru_cache(maxsize=None)
def _build(batch, seq_len, dim):
  s_per_w = seq_len // _NW
  n_chunks = batch
  rows_per_w = batch * s_per_w
  vecs_per_row = dim // _LANES

  mesh = plsc.VectorSubcoreMesh(core_axis_name="c", subcore_axis_name="s")

  @functools.partial(
      pl.kernel,
      mesh=mesh,
      out_type=jax.ShapeDtypeStruct((batch, seq_len, dim), jnp.float32),
      scratch_types=(
          [pltpu.VMEM((n_chunks, s_per_w), jnp.int32),
           pltpu.VMEM((rows_per_w, dim), jnp.float32),
           pltpu.VMEM((s_per_w, dim), jnp.float32)]
          + [pltpu.SemaphoreType.DMA] * (3 * n_chunks + 3)
      ),
  )
  def tok_pos_embed(idx_hbm, tok_hbm, pos_hbm, out_hbm,
                    idx_v, rows_v, pos_v, *sems):
    psem0 = sems[0]
    psem1 = sems[1]
    osem = sems[2]
    isems = sems[3:3 + n_chunks]
    gsems = sems[3 + n_chunks:3 + 3 * n_chunks]

    wid = lax.axis_index("s") * _NUM_CORES + lax.axis_index("c")
    s_base = wid * s_per_w

    idx_cps = [
        pltpu.async_copy(idx_hbm.at[j, pl.ds(s_base, s_per_w)],
                         idx_v.at[j], isems[j])
        for j in range(n_chunks)
    ]
    pos_cp0 = pltpu.async_copy(pos_hbm.at[pl.ds(s_base, s_per_w)],
                               rows_v.at[pl.ds(0, s_per_w)], psem0)
    pos_cp1 = pltpu.async_copy(pos_hbm.at[pl.ds(s_base, s_per_w)],
                               pos_v, psem1)

    def fill_chunk(j):
      def rep_row(r, carry):
        for c in range(vecs_per_row):
          sl = pl.ds(c * _LANES, _LANES)
          rows_v[j * s_per_w + r, sl] = pos_v[r, sl]
        return carry
      lax.fori_loop(0, s_per_w, rep_row, 0)

    half = s_per_w // 2
    gathers = []
    stores = []

    def gather_half(j, h):
      return pltpu.async_copy(
          tok_hbm.at[idx_v.at[j, pl.ds(h * half, half)]],
          rows_v.at[pl.ds(j * s_per_w + h * half, half)],
          gsems[2 * j + h], add=True)

    def store_half(j, h):
      return pltpu.async_copy(
          rows_v.at[pl.ds(j * s_per_w + h * half, half)],
          out_hbm.at[j, pl.ds(s_base + h * half, half)],
          osem)

    pos_cp0.wait()
    idx_cps[0].wait()
    gathers += [gather_half(0, 0), gather_half(0, 1)]
    pos_cp1.wait()
    for j in range(1, n_chunks):
      fill_chunk(j)
      idx_cps[j].wait()
      gathers += [gather_half(j, 0), gather_half(j, 1)]
      gathers[2 * (j - 1)].wait()
      stores.append(store_half(j - 1, 0))
      gathers[2 * (j - 1) + 1].wait()
      stores.append(store_half(j - 1, 1))
    gathers[2 * (n_chunks - 1)].wait()
    stores.append(store_half(n_chunks - 1, 0))
    gathers[2 * (n_chunks - 1) + 1].wait()
    stores.append(store_half(n_chunks - 1, 1))
    for s in stores:
      s.wait()

  return tok_pos_embed


def kernel(x, tok_table, pos_table):
  batch, seq_len = x.shape
  _, dim = tok_table.shape
  fn = _build(batch, seq_len, dim)
  return fn(x, tok_table, pos_table)

# --- scband reference (transcript-rebuilt; emitter-appended) ---
"""Pipeline reference for scband-token-pos-embedding-51084341019326 (READ-ONLY COPY).

The authoritative reference and input builder live on the scoring server;
editing this copy changes nothing except your own understanding.
"""

import jax, jax.numpy as jnp
import numpy as np

VOCAB = 100000
SEQ_LEN = 2048
EMBED_DIM = 128
BATCH = 4

def setup_inputs(seed: int = 0) -> dict:
    key = jax.random.key(seed)
    k1, k2, k3 = jax.random.split(key, 3)
    x = jax.random.randint(k1, (BATCH, SEQ_LEN), 0, VOCAB, dtype=jnp.int64 if jax.config.jax_enable_x64 else jnp.int32)
    tok_table = jax.random.normal(k2, (VOCAB, EMBED_DIM), dtype=jnp.float32) * 0.02
    pos_table = jax.random.normal(k3, (SEQ_LEN, EMBED_DIM), dtype=jnp.float32) * 0.02
    return {"x": x, "tok_table": tok_table, "pos_table": pos_table}

def reference(x, tok_table, pos_table):
    # tok = tok_emb(x): gather rows of token table
    tok = jnp.take(tok_table, x, axis=0)               # [B, S, D]
    # pos = pos_emb(range(seq_len)): gather rows of positional table
    pos = jnp.take(pos_table, jnp.arange(x.shape[1]), axis=0)  # [S, D]
    return tok + pos[None, :, :]

if __name__ == "__main__":
    import jax
    _d = setup_inputs()
    print(jax.jit(kernel)(*tuple(_d.values())))

</pallas_src>

<mosaic_0001>
#map = affine_map<(d0, d1) -> (0, 0)>
#map1 = affine_map<(d0, d1) -> (0, 0, 0)>
module attributes {stable_mosaic.version = 14 : i64} {
  func.func @tok_pos_embed(%arg0: i32, %arg1: i32, %arg2: memref<4x2048xi32, #tpu.memory_space<hbm>>, %arg3: memref<100000x128xf32, #tpu.memory_space<hbm>>, %arg4: memref<2048x128xf32, #tpu.memory_space<hbm>>, %arg5: memref<4x2048x128xf32, #tpu.memory_space<hbm>>, %arg6: memref<4x64xi32, #tpu.memory_space<vmem>>, %arg7: memref<256x128xf32, #tpu.memory_space<vmem>>, %arg8: memref<64x128xf32, #tpu.memory_space<vmem>>, %arg9: memref<!tpu.dma_semaphore, #tpu.memory_space<semaphore_mem>>, %arg10: memref<!tpu.dma_semaphore, #tpu.memory_space<semaphore_mem>>, %arg11: memref<!tpu.dma_semaphore, #tpu.memory_space<semaphore_mem>>, %arg12: memref<!tpu.dma_semaphore, #tpu.memory_space<semaphore_mem>>, %arg13: memref<!tpu.dma_semaphore, #tpu.memory_space<semaphore_mem>>, %arg14: memref<!tpu.dma_semaphore, #tpu.memory_space<semaphore_mem>>, %arg15: memref<!tpu.dma_semaphore, #tpu.memory_space<semaphore_mem>>, %arg16: memref<!tpu.dma_semaphore, #tpu.memory_space<semaphore_mem>>, %arg17: memref<!tpu.dma_semaphore, #tpu.memory_space<semaphore_mem>>, %arg18: memref<!tpu.dma_semaphore, #tpu.memory_space<semaphore_mem>>, %arg19: memref<!tpu.dma_semaphore, #tpu.memory_space<semaphore_mem>>, %arg20: memref<!tpu.dma_semaphore, #tpu.memory_space<semaphore_mem>>, %arg21: memref<!tpu.dma_semaphore, #tpu.memory_space<semaphore_mem>>, %arg22: memref<!tpu.dma_semaphore, #tpu.memory_space<semaphore_mem>>, %arg23: memref<!tpu.dma_semaphore, #tpu.memory_space<semaphore_mem>>) attributes {dimension_semantics = [#tpu.dimension_semantics<core_parallel>, #tpu.dimension_semantics<subcore_parallel>], iteration_bounds = array<i64: 2, 16>, scalar_prefetch = 0 : i64, scratch_operands = 18 : i64, tpu.core_type = #tpu.core_type<sc_vector_subcore>, window_params = [{transform_indices = #map}, {transform_indices = #map}, {transform_indices = #map}, {transform_indices = #map1}]} {
    %mul3A = arith.constant 2 : i32
    %mul3A_0 = arith.muli %arg1, %mul3A : i32
    %add3A = arith.addi %mul3A_0, %arg0 : i32
    %mul3A_1 = arith.constant 64 : i32
    %mul3A_2 = arith.muli %add3A, %mul3A_1 : i32
    %dma_start3A = arith.constant 0 : i32
    %dma_start3A_3 = arith.constant 0 : i32
    %dma_start3A_4 = arith.constant 0 : i32
    %dma_start3A_5 = tpu.memref_slice %arg6[%dma_start3A_3, %dma_start3A_4] : memref<4x64xi32, #tpu.memory_space<vmem>> -> memref<1x64xi32, #tpu.memory_space<vmem>>
    %dma_start3A_6 = tpu.memref_squeeze %dma_start3A_5 : memref<1x64xi32, #tpu.memory_space<vmem>> -> memref<64xi32, #tpu.memory_space<vmem>>
    %dma_start3A_7 = tpu.memref_slice %arg2[%dma_start3A, %mul3A_2] : memref<4x2048xi32, #tpu.memory_space<hbm>> -> memref<1x64xi32, #tpu.memory_space<hbm>>
    %dma_start3A_8 = tpu.memref_squeeze %dma_start3A_7 : memref<1x64xi32, #tpu.memory_space<hbm>> -> memref<64xi32, #tpu.memory_space<hbm>>
    %dma_start3A_9 = arith.constant 0 : i32
    %dma_start3A_10 = tpu.memref_slice %arg6[%dma_start3A_3, %dma_start3A_9] : memref<4x64xi32, #tpu.memory_space<vmem>> -> memref<1x64xi32, #tpu.memory_space<vmem>>
    %dma_start3A_11 = tpu.memref_squeeze %dma_start3A_10 : memref<1x64xi32, #tpu.memory_space<vmem>> -> memref<64xi32, #tpu.memory_space<vmem>>
    %dma_start3A_12 = tpu.memref_slice %arg2[%dma_start3A, %mul3A_2] : memref<4x2048xi32, #tpu.memory_space<hbm>> -> memref<1x64xi32, #tpu.memory_space<hbm>>
    %dma_start3A_13 = tpu.memref_squeeze %dma_start3A_12 : memref<1x64xi32, #tpu.memory_space<hbm>> -> memref<64xi32, #tpu.memory_space<hbm>>
    tpu.enqueue_dma source(%dma_start3A_13 : memref<64xi32, #tpu.memory_space<hbm>>) target(%dma_start3A_11 : memref<64xi32, #tpu.memory_space<vmem>>) target_semaphore(%arg12 : memref<!tpu.dma_semaphore, #tpu.memory_space<semaphore_mem>>)
    %dma_start3A_14 = arith.constant 1 : i32
    %dma_start3A_15 = arith.constant 1 : i32
    %dma_start3A_16 = arith.constant 0 : i32
    %dma_start3A_17 = tpu.memref_slice %arg6[%dma_start3A_15, %dma_start3A_16] : memref<4x64xi32, #tpu.memory_space<vmem>> -> memref<1x64xi32, #tpu.memory_space<vmem>>
    %dma_start3A_18 = tpu.memref_squeeze %dma_start3A_17 : memref<1x64xi32, #tpu.memory_space<vmem>> -> memref<64xi32, #tpu.memory_space<vmem>>
    %dma_start3A_19 = tpu.memref_slice %arg2[%dma_start3A_14, %mul3A_2] : memref<4x2048xi32, #tpu.memory_space<hbm>> -> memref<1x64xi32, #tpu.memory_space<hbm>>
    %dma_start3A_20 = tpu.memref_squeeze %dma_start3A_19 : memref<1x64xi32, #tpu.memory_space<hbm>> -> memref<64xi32, #tpu.memory_space<hbm>>
    %dma_start3A_21 = arith.constant 0 : i32
    %dma_start3A_22 = tpu.memref_slice %arg6[%dma_start3A_15, %dma_start3A_21] : memref<4x64xi32, #tpu.memory_space<vmem>> -> memref<1x64xi32, #tpu.memory_space<vmem>>
    %dma_start3A_23 = tpu.memref_squeeze %dma_start3A_22 : memref<1x64xi32, #tpu.memory_space<vmem>> -> memref<64xi32, #tpu.memory_space<vmem>>
    %dma_start3A_24 = tpu.memref_slice %arg2[%dma_start3A_14, %mul3A_2] : memref<4x2048xi32, #tpu.memory_space<hbm>> -> memref<1x64xi32, #tpu.memory_space<hbm>>
    %dma_start3A_25 = tpu.memref_squeeze %dma_start3A_24 : memref<1x64xi32, #tpu.memory_space<hbm>> -> memref<64xi32, #tpu.memory_space<hbm>>
    tpu.enqueue_dma source(%dma_start3A_25 : memref<64xi32, #tpu.memory_space<hbm>>) target(%dma_start3A_23 : memref<64xi32, #tpu.memory_space<vmem>>) target_semaphore(%arg13 : memref<!tpu.dma_semaphore, #tpu.memory_space<semaphore_mem>>)
    %dma_start3A_26 = arith.constant 2 : i32
    %dma_start3A_27 = arith.constant 2 : i32
    %dma_start3A_28 = arith.constant 0 : i32
    %dma_start3A_29 = tpu.memref_slice %arg6[%dma_start3A_27, %dma_start3A_28] : memref<4x64xi32, #tpu.memory_space<vmem>> -> memref<1x64xi32, #tpu.memory_space<vmem>>
    %dma_start3A_30 = tpu.memref_squeeze %dma_start3A_29 : memref<1x64xi32, #tpu.memory_space<vmem>> -> memref<64xi32, #tpu.memory_space<vmem>>
    %dma_start3A_31 = tpu.memref_slice %arg2[%dma_start3A_26, %mul3A_2] : memref<4x2048xi32, #tpu.memory_space<hbm>> -> memref<1x64xi32, #tpu.memory_space<hbm>>
    %dma_start3A_32 = tpu.memref_squeeze %dma_start3A_31 : memref<1x64xi32, #tpu.memory_space<hbm>> -> memref<64xi32, #tpu.memory_space<hbm>>
    %dma_start3A_33 = arith.constant 0 : i32
    %dma_start3A_34 = tpu.memref_slice %arg6[%dma_start3A_27, %dma_start3A_33] : memref<4x64xi32, #tpu.memory_space<vmem>> -> memref<1x64xi32, #tpu.memory_space<vmem>>
    %dma_start3A_35 = tpu.memref_squeeze %dma_start3A_34 : memref<1x64xi32, #tpu.memory_space<vmem>> -> memref<64xi32, #tpu.memory_space<vmem>>
    %dma_start3A_36 = tpu.memref_slice %arg2[%dma_start3A_26, %mul3A_2] : memref<4x2048xi32, #tpu.memory_space<hbm>> -> memref<1x64xi32, #tpu.memory_space<hbm>>
    %dma_start3A_37 = tpu.memref_squeeze %dma_start3A_36 : memref<1x64xi32, #tpu.memory_space<hbm>> -> memref<64xi32, #tpu.memory_space<hbm>>
    tpu.enqueue_dma source(%dma_start3A_37 : memref<64xi32, #tpu.memory_space<hbm>>) target(%dma_start3A_35 : memref<64xi32, #tpu.memory_space<vmem>>) target_semaphore(%arg14 : memref<!tpu.dma_semaphore, #tpu.memory_space<semaphore_mem>>)
    %dma_start3A_38 = arith.constant 3 : i32
    %dma_start3A_39 = arith.constant 3 : i32
    %dma_start3A_40 = arith.constant 0 : i32
    %dma_start3A_41 = tpu.memref_slice %arg6[%dma_start3A_39, %dma_start3A_40] : memref<4x64xi32, #tpu.memory_space<vmem>> -> memref<1x64xi32, #tpu.memory_space<vmem>>
    %dma_start3A_42 = tpu.memref_squeeze %dma_start3A_41 : memref<1x64xi32, #tpu.memory_space<vmem>> -> memref<64xi32, #tpu.memory_space<vmem>>
    %dma_start3A_43 = tpu.memref_slice %arg2[%dma_start3A_38, %mul3A_2] : memref<4x2048xi32, #tpu.memory_space<hbm>> -> memref<1x64xi32, #tpu.memory_space<hbm>>
    %dma_start3A_44 = tpu.memref_squeeze %dma_start3A_43 : memref<1x64xi32, #tpu.memory_space<hbm>> -> memref<64xi32, #tpu.memory_space<hbm>>
    %dma_start3A_45 = arith.constant 0 : i32
    %dma_start3A_46 = tpu.memref_slice %arg6[%dma_start3A_39, %dma_start3A_45] : memref<4x64xi32, #tpu.memory_space<vmem>> -> memref<1x64xi32, #tpu.memory_space<vmem>>
    %dma_start3A_47 = tpu.memref_squeeze %dma_start3A_46 : memref<1x64xi32, #tpu.memory_space<vmem>> -> memref<64xi32, #tpu.memory_space<vmem>>
    %dma_start3A_48 = tpu.memref_slice %arg2[%dma_start3A_38, %mul3A_2] : memref<4x2048xi32, #tpu.memory_space<hbm>> -> memref<1x64xi32, #tpu.memory_space<hbm>>
    %dma_start3A_49 = tpu.memref_squeeze %dma_start3A_48 : memref<1x64xi32, #tpu.memory_space<hbm>> -> memref<64xi32, #tpu.memory_space<hbm>>
    tpu.enqueue_dma source(%dma_start3A_49 : memref<64xi32, #tpu.memory_space<hbm>>) target(%dma_start3A_47 : memref<64xi32, #tpu.memory_space<vmem>>) target_semaphore(%arg15 : memref<!tpu.dma_semaphore, #tpu.memory_space<semaphore_mem>>)
    %dma_start3A_50 = arith.constant 0 : i32
    %dma_start3A_51 = arith.constant 0 : i32
    %dma_start3A_52 = tpu.memref_slice %arg7[%dma_start3A_50, %dma_start3A_51] : memref<256x128xf32, #tpu.memory_space<vmem>> -> memref<64x128xf32, #tpu.memory_space<vmem>>
    %dma_start3A_53 = arith.constant 0 : i32
    %dma_start3A_54 = tpu.memref_slice %arg4[%mul3A_2, %dma_start3A_53] : memref<2048x128xf32, #tpu.memory_space<hbm>> -> memref<64x128xf32, #tpu.memory_space<hbm>>
    %dma_start3A_55 = arith.constant 0 : i32
    %dma_start3A_56 = arith.constant 0 : i32
    %dma_start3A_57 = tpu.memref_slice %arg7[%dma_start3A_55, %dma_start3A_56] : memref<256x128xf32, #tpu.memory_space<vmem>> -> memref<64x128xf32, #tpu.memory_space<vmem>>
    %dma_start3A_58 = arith.constant 0 : i32
    %dma_start3A_59 = tpu.memref_slice %arg4[%mul3A_2, %dma_start3A_58] : memref<2048x128xf32, #tpu.memory_space<hbm>> -> memref<64x128xf32, #tpu.memory_space<hbm>>
    tpu.enqueue_dma source(%dma_start3A_59 : memref<64x128xf32, #tpu.memory_space<hbm>>) target(%dma_start3A_57 : memref<64x128xf32, #tpu.memory_space<vmem>>) target_semaphore(%arg9 : memref<!tpu.dma_semaphore, #tpu.memory_space<semaphore_mem>>)
    %dma_start3A_60 = arith.constant 0 : i32
    %dma_start3A_61 = tpu.memref_slice %arg4[%mul3A_2, %dma_start3A_60] : memref<2048x128xf32, #tpu.memory_space<hbm>> -> memref<64x128xf32, #tpu.memory_space<hbm>>
    %dma_start3A_62 = arith.constant 0 : i32
    %dma_start3A_63 = tpu.memref_slice %arg4[%mul3A_2, %dma_start3A_62] : memref<2048x128xf32, #tpu.memory_space<hbm>> -> memref<64x128xf32, #tpu.memory_space<hbm>>
    tpu.enqueue_dma source(%dma_start3A_63 : memref<64x128xf32, #tpu.memory_space<hbm>>) target(%arg8 : memref<64x128xf32, #tpu.memory_space<vmem>>) target_semaphore(%arg10 : memref<!tpu.dma_semaphore, #tpu.memory_space<semaphore_mem>>)
    %dma_wait3A = arith.constant 0 : i32
    %dma_wait3A_64 = arith.constant 0 : i32
    %dma_wait3A_65 = tpu.memref_slice %arg7[%dma_wait3A, %dma_wait3A_64] : memref<256x128xf32, #tpu.memory_space<vmem>> -> memref<64x128xf32, #tpu.memory_space<vmem>>
    %dma_wait3A_66 = arith.constant 0 : i32
    %dma_wait3A_67 = tpu.memref_slice %arg4[%mul3A_2, %dma_wait3A_66] : memref<2048x128xf32, #tpu.memory_space<hbm>> -> memref<64x128xf32, #tpu.memory_space<hbm>>
    %dma_wait3A_68 = arith.constant 0 : i32
    %dma_wait3A_69 = arith.constant 0 : i32
    %dma_wait3A_70 = tpu.memref_slice %arg7[%dma_wait3A_68, %dma_wait3A_69] : memref<256x128xf32, #tpu.memory_space<vmem>> -> memref<64x128xf32, #tpu.memory_space<vmem>>
    %dma_wait3A_71 = arith.constant 0 : i32
    %dma_wait3A_72 = tpu.memref_slice %arg4[%mul3A_2, %dma_wait3A_71] : memref<2048x128xf32, #tpu.memory_space<hbm>> -> memref<64x128xf32, #tpu.memory_space<hbm>>
    tpu.wait_dma2 semaphore(%arg9 : memref<!tpu.dma_semaphore, #tpu.memory_space<semaphore_mem>>) src(%dma_wait3A_72 : memref<64x128xf32, #tpu.memory_space<hbm>>) dst(%dma_wait3A_70 : memref<64x128xf32, #tpu.memory_space<vmem>>)
    %dma_wait3A_73 = arith.constant 0 : i32
    %dma_wait3A_74 = arith.constant 0 : i32
    %dma_wait3A_75 = arith.constant 0 : i32
    %dma_wait3A_76 = tpu.memref_slice %arg6[%dma_wait3A_74, %dma_wait3A_75] : memref<4x64xi32, #tpu.memory_space<vmem>> -> memref<1x64xi32, #tpu.memory_space<vmem>>
    %dma_wait3A_77 = tpu.memref_squeeze %dma_wait3A_76 : memref<1x64xi32, #tpu.memory_space<vmem>> -> memref<64xi32, #tpu.memory_space<vmem>>
    %dma_wait3A_78 = tpu.memref_slice %arg2[%dma_wait3A_73, %mul3A_2] : memref<4x2048xi32, #tpu.memory_space<hbm>> -> memref<1x64xi32, #tpu.memory_space<hbm>>
    %dma_wait3A_79 = tpu.memref_squeeze %dma_wait3A_78 : memref<1x64xi32, #tpu.memory_space<hbm>> -> memref<64xi32, #tpu.memory_space<hbm>>
    %dma_wait3A_80 = arith.constant 0 : i32
    %dma_wait3A_81 = tpu.memref_slice %arg6[%dma_wait3A_74, %dma_wait3A_80] : memref<4x64xi32, #tpu.memory_space<vmem>> -> memref<1x64xi32, #tpu.memory_space<vmem>>
    %dma_wait3A_82 = tpu.memref_squeeze %dma_wait3A_81 : memref<1x64xi32, #tpu.memory_space<vmem>> -> memref<64xi32, #tpu.memory_space<vmem>>
    %dma_wait3A_83 = tpu.memref_slice %arg2[%dma_wait3A_73, %mul3A_2] : memref<4x2048xi32, #tpu.memory_space<hbm>> -> memref<1x64xi32, #tpu.memory_space<hbm>>
    %dma_wait3A_84 = tpu.memref_squeeze %dma_wait3A_83 : memref<1x64xi32, #tpu.memory_space<hbm>> -> memref<64xi32, #tpu.memory_space<hbm>>
    tpu.wait_dma2 semaphore(%arg12 : memref<!tpu.dma_semaphore, #tpu.memory_space<semaphore_mem>>) src(%dma_wait3A_84 : memref<64xi32, #tpu.memory_space<hbm>>) dst(%dma_wait3A_82 : memref<64xi32, #tpu.memory_space<vmem>>)
    %dma_start3A_85 = arith.constant 0 : i32
    %dma_start3A_86 = arith.constant 0 : i32
    %dma_start3A_87 = arith.constant 0 : i32
    %dma_start3A_88 = tpu.memref_slice %arg7[%dma_start3A_86, %dma_start3A_87] : memref<256x128xf32, #tpu.memory_space<vmem>> -> memref<32x128xf32, #tpu.memory_space<vmem>>
    %dma_start3A_89 = arith.constant 0 : i32
    %dma_start3A_90 = tpu.memref_slice %arg6[%dma_start3A_85, %dma_start3A_89] : memref<4x64xi32, #tpu.memory_space<vmem>> -> memref<1x32xi32, #tpu.memory_space<vmem>>
    %dma_start3A_91 = tpu.memref_squeeze %dma_start3A_90 : memref<1x32xi32, #tpu.memory_space<vmem>> -> memref<32xi32, #tpu.memory_space<vmem>>
    %dma_start3A_92 = arith.constant 0 : i32
    %dma_start3A_93 = arith.constant 0 : i32
    %dma_start3A_94 = tpu.memref_slice %arg3[%dma_start3A_92, %dma_start3A_93] : memref<100000x128xf32, #tpu.memory_space<hbm>> -> memref<100000x128xf32, #tpu.memory_space<hbm>>
    tpu.enqueue_indirect_dma source(%dma_start3A_94 : memref<100000x128xf32, #tpu.memory_space<hbm>>) target(%dma_start3A_88 : memref<32x128xf32, #tpu.memory_space<vmem>>) offsets(%dma_start3A_91 : memref<32xi32, #tpu.memory_space<vmem>>) semaphore(%arg16 : memref<!tpu.dma_semaphore, #tpu.memory_space<semaphore_mem>>) {add = true}
    %dma_start3A_95 = arith.constant 0 : i32
    %dma_start3A_96 = arith.constant 32 : i32
    %dma_start3A_97 = arith.constant 0 : i32
    %dma_start3A_98 = tpu.memref_slice %arg7[%dma_start3A_96, %dma_start3A_97] : memref<256x128xf32, #tpu.memory_space<vmem>> -> memref<32x128xf32, #tpu.memory_space<vmem>>
    %dma_start3A_99 = arith.constant 32 : i32
    %dma_start3A_100 = tpu.memref_slice %arg6[%dma_start3A_95, %dma_start3A_99] : memref<4x64xi32, #tpu.memory_space<vmem>> -> memref<1x32xi32, #tpu.memory_space<vmem>>
    %dma_start3A_101 = tpu.memref_squeeze %dma_start3A_100 : memref<1x32xi32, #tpu.memory_space<vmem>> -> memref<32xi32, #tpu.memory_space<vmem>>
    %dma_start3A_102 = arith.constant 0 : i32
    %dma_start3A_103 = arith.constant 0 : i32
    %dma_start3A_104 = tpu.memref_slice %arg3[%dma_start3A_102, %dma_start3A_103] : memref<100000x128xf32, #tpu.memory_space<hbm>> -> memref<100000x128xf32, #tpu.memory_space<hbm>>
    tpu.enqueue_indirect_dma source(%dma_start3A_104 : memref<100000x128xf32, #tpu.memory_space<hbm>>) target(%dma_start3A_98 : memref<32x128xf32, #tpu.memory_space<vmem>>) offsets(%dma_start3A_101 : memref<32xi32, #tpu.memory_space<vmem>>) semaphore(%arg17 : memref<!tpu.dma_semaphore, #tpu.memory_space<semaphore_mem>>) {add = true}
    %dma_wait3A_105 = arith.constant 0 : i32
    %dma_wait3A_106 = tpu.memref_slice %arg4[%mul3A_2, %dma_wait3A_105] : memref<2048x128xf32, #tpu.memory_space<hbm>> -> memref<64x128xf32, #tpu.memory_space<hbm>>
    %dma_wait3A_107 = arith.constant 0 : i32
    %dma_wait3A_108 = tpu.memref_slice %arg4[%mul3A_2, %dma_wait3A_107] : memref<2048x128xf32, #tpu.memory_space<hbm>> -> memref<64x128xf32, #tpu.memory_space<hbm>>
    tpu.wait_dma2 semaphore(%arg10 : memref<!tpu.dma_semaphore, #tpu.memory_space<semaphore_mem>>) src(%dma_wait3A_108 : memref<64x128xf32, #tpu.memory_space<hbm>>) dst(%arg8 : memref<64x128xf32, #tpu.memory_space<vmem>>)
    %scan3A = arith.constant 0 : i32
    %scan3A_109 = arith.constant 0 : i32
    %scan3A_110 = arith.constant 64 : i32
    %scan3A_111 = arith.addi %scan3A_109, %scan3A_110 : i32
    %scan3A_112 = arith.constant 1 : i32
    scf.for %scan3A_526 = %scan3A_109 to %scan3A_111 step %scan3A_112  : i32 {
      %get3A = arith.index_cast %scan3A_526 : i32 to index
      %get3A_527 = arith.constant 0 : index
      %get3A_528 = tpu.vector_load %arg8[%get3A, %get3A_527] {strides = array<i32>} : memref<64x128xf32, #tpu.memory_space<vmem>>, vector<1x16xf32>,
      %get3A_529 = vector.shape_cast %get3A_528 : vector<1x16xf32> to vector<16xf32>
      %add3A_530 = arith.constant 64 : i32
      %add3A_531 = arith.addi %add3A_530, %scan3A_526 : i32
      %swap3A = arith.index_cast %add3A_531 : i32 to index
      %swap3A_532 = arith.constant 0 : index
      %swap3A_533 = tpu.vector_load %arg7[%swap3A, %swap3A_532] {strides = array<i32>} : memref<256x128xf32, #tpu.memory_space<vmem>>, vector<1x16xf32>,
      %swap3A_534 = vector.shape_cast %swap3A_533 : vector<1x16xf32> to vector<16xf32>
      %swap3A_535 = vector.shape_cast %get3A_529 : vector<16xf32> to vector<1x16xf32>
      tpu.vector_store %arg7[%swap3A, %swap3A_532], %swap3A_535 {strides = array<i32>} : memref<256x128xf32, #tpu.memory_space<vmem>>, vector<1x16xf32>,
      %get3A_536 = arith.index_cast %scan3A_526 : i32 to index
      %get3A_537 = arith.constant 16 : index
      %get3A_538 = tpu.vector_load %arg8[%get3A_536, %get3A_537] {strides = array<i32>} : memref<64x128xf32, #tpu.memory_space<vmem>>, vector<1x16xf32>,
      %get3A_539 = vector.shape_cast %get3A_538 : vector<1x16xf32> to vector<16xf32>
      %add3A_540 = arith.constant 64 : i32
      %add3A_541 = arith.addi %add3A_540, %scan3A_526 : i32
      %swap3A_542 = arith.index_cast %add3A_541 : i32 to index
      %swap3A_543 = arith.constant 16 : index
      %swap3A_544 = tpu.vector_load %arg7[%swap3A_542, %swap3A_543] {strides = array<i32>} : memref<256x128xf32, #tpu.memory_space<vmem>>, vector<1x16xf32>,
      %swap3A_545 = vector.shape_cast %swap3A_544 : vector<1x16xf32> to vector<16xf32>
      %swap3A_546 = vector.shape_cast %get3A_539 : vector<16xf32> to vector<1x16xf32>
      tpu.vector_store %arg7[%swap3A_542, %swap3A_543], %swap3A_546 {strides = array<i32>} : memref<256x128xf32, #tpu.memory_space<vmem>>, vector<1x16xf32>,
      %get3A_547 = arith.index_cast %scan3A_526 : i32 to index
      %get3A_548 = arith.constant 32 : index
      %get3A_549 = tpu.vector_load %arg8[%get3A_547, %get3A_548] {strides = array<i32>} : memref<64x128xf32, #tpu.memory_space<vmem>>, vector<1x16xf32>,
      %get3A_550 = vector.shape_cast %get3A_549 : vector<1x16xf32> to vector<16xf32>
      %add3A_551 = arith.constant 64 : i32
      %add3A_552 = arith.addi %add3A_551, %scan3A_526 : i32
      %swap3A_553 = arith.index_cast %add3A_552 : i32 to index
      %swap3A_554 = arith.constant 32 : index
      %swap3A_555 = tpu.vector_load %arg7[%swap3A_553, %swap3A_554] {strides = array<i32>} : memref<256x128xf32, #tpu.memory_space<vmem>>, vector<1x16xf32>,
      %swap3A_556 = vector.shape_cast %swap3A_555 : vector<1x16xf32> to vector<16xf32>
      %swap3A_557 = vector.shape_cast %get3A_550 : vector<16xf32> to vector<1x16xf32>
      tpu.vector_store %arg7[%swap3A_553, %swap3A_554], %swap3A_557 {strides = array<i32>} : memref<256x128xf32, #tpu.memory_space<vmem>>, vector<1x16xf32>,
      %get3A_558 = arith.index_cast %scan3A_526 : i32 to index
      %get3A_559 = arith.constant 48 : index
      %get3A_560 = tpu.vector_load %arg8[%get3A_558, %get3A_559] {strides = array<i32>} : memref<64x128xf32, #tpu.memory_space<vmem>>, vector<1x16xf32>,
      %get3A_561 = vector.shape_cast %get3A_560 : vector<1x16xf32> to vector<16xf32>
      %add3A_562 = arith.constant 64 : i32
      %add3A_563 = arith.addi %add3A_562, %scan3A_526 : i32
      %swap3A_564 = arith.index_cast %add3A_563 : i32 to index
      %swap3A_565 = arith.constant 48 : index
      %swap3A_566 = tpu.vector_load %arg7[%swap3A_564, %swap3A_565] {strides = array<i32>} : memref<256x128xf32, #tpu.memory_space<vmem>>, vector<1x16xf32>,
      %swap3A_567 = vector.shape_cast %swap3A_566 : vector<1x16xf32> to vector<16xf32>
      %swap3A_568 = vector.shape_cast %get3A_561 : vector<16xf32> to vector<1x16xf32>
      tpu.vector_store %arg7[%swap3A_564, %swap3A_565], %swap3A_568 {strides = array<i32>} : memref<256x128xf32, #tpu.memory_space<vmem>>, vector<1x16xf32>,
      %get3A_569 = arith.index_cast %scan3A_526 : i32 to index
      %get3A_570 = arith.constant 64 : index
      %get3A_571 = tpu.vector_load %arg8[%get3A_569, %get3A_570] {strides = array<i32>} : memref<64x128xf32, #tpu.memory_space<vmem>>, vector<1x16xf32>,
      %get3A_572 = vector.shape_cast %get3A_571 : vector<1x16xf32> to vector<16xf32>
      %add3A_573 = arith.constant 64 : i32
      %add3A_574 = arith.addi %add3A_573, %scan3A_526 : i32
      %swap3A_575 = arith.index_cast %add3A_574 : i32 to index
      %swap3A_576 = arith.constant 64 : index
      %swap3A_577 = tpu.vector_load %arg7[%swap3A_575, %swap3A_576] {strides = array<i32>} : memref<256x128xf32, #tpu.memory_space<vmem>>, vector<1x16xf32>,
      %swap3A_578 = vector.shape_cast %swap3A_577 : vector<1x16xf32> to vector<16xf32>
      %swap3A_579 = vector.shape_cast %get3A_572 : vector<16xf32> to vector<1x16xf32>
      tpu.vector_store %arg7[%swap3A_575, %swap3A_576], %swap3A_579 {strides = array<i32>} : memref<256x128xf32, #tpu.memory_space<vmem>>, vector<1x16xf32>,
      %get3A_580 = arith.index_cast %scan3A_526 : i32 to index
      %get3A_581 = arith.constant 80 : index
      %get3A_582 = tpu.vector_load %arg8[%get3A_580, %get3A_581] {strides = array<i32>} : memref<64x128xf32, #tpu.memory_space<vmem>>, vector<1x16xf32>,
      %get3A_583 = vector.shape_cast %get3A_582 : vector<1x16xf32> to vector<16xf32>
      %add3A_584 = arith.constant 64 : i32
      %add3A_585 = arith.addi %add3A_584, %scan3A_526 : i32
      %swap3A_586 = arith.index_cast %add3A_585 : i32 to index
      %swap3A_587 = arith.constant 80 : index
      %swap3A_588 = tpu.vector_load %arg7[%swap3A_586, %swap3A_587] {strides = array<i32>} : memref<256x128xf32, #tpu.memory_space<vmem>>, vector<1x16xf32>,
      %swap3A_589 = vector.shape_cast %swap3A_588 : vector<1x16xf32> to vector<16xf32>
      %swap3A_590 = vector.shape_cast %get3A_583 : vector<16xf32> to vector<1x16xf32>
      tpu.vector_store %arg7[%swap3A_586, %swap3A_587], %swap3A_590 {strides = array<i32>} : memref<256x128xf32, #tpu.memory_space<vmem>>, vector<1x16xf32>,
      %get3A_591 = arith.index_cast %scan3A_526 : i32 to index
      %get3A_592 = arith.constant 96 : index
      %get3A_593 = tpu.vector_load %arg8[%get3A_591, %get3A_592] {strides = array<i32>} : memref<64x128xf32, #tpu.memory_space<vmem>>, vector<1x16xf32>,
      %get3A_594 = vector.shape_cast %get3A_593 : vector<1x16xf32> to vector<16xf32>
      %add3A_595 = arith.constant 64 : i32
      %add3A_596 = arith.addi %add3A_595, %scan3A_526 : i32
      %swap3A_597 = arith.index_cast %add3A_596 : i32 to index
      %swap3A_598 = arith.constant 96 : index
      %swap3A_599 = tpu.vector_load %arg7[%swap3A_597, %swap3A_598] {strides = array<i32>} : memref<256x128xf32, #tpu.memory_space<vmem>>, vector<1x16xf32>,
      %swap3A_600 = vector.shape_cast %swap3A_599 : vector<1x16xf32> to vector<16xf32>
      %swap3A_601 = vector.shape_cast %get3A_594 : vector<16xf32> to vector<1x16xf32>
      tpu.vector_store %arg7[%swap3A_597, %swap3A_598], %swap3A_601 {strides = array<i32>} : memref<256x128xf32, #tpu.memory_space<vmem>>, vector<1x16xf32>,
      %get3A_602 = arith.index_cast %scan3A_526 : i32 to index
      %get3A_603 = arith.constant 112 : index
      %get3A_604 = tpu.vector_load %arg8[%get3A_602, %get3A_603] {strides = array<i32>} : memref<64x128xf32, #tpu.memory_space<vmem>>, vector<1x16xf32>,
      %get3A_605 = vector.shape_cast %get3A_604 : vector<1x16xf32> to vector<16xf32>
      %add3A_606 = arith.constant 64 : i32
      %add3A_607 = arith.addi %add3A_606, %scan3A_526 : i32
      %swap3A_608 = arith.index_cast %add3A_607 : i32 to index
      %swap3A_609 = arith.constant 112 : index
      %swap3A_610 = tpu.vector_load %arg7[%swap3A_608, %swap3A_609] {strides = array<i32>} : memref<256x128xf32, #tpu.memory_space<vmem>>, vector<1x16xf32>,
      %swap3A_611 = vector.shape_cast %swap3A_610 : vector<1x16xf32> to vector<16xf32>
      %swap3A_612 = vector.shape_cast %get3A_605 : vector<16xf32> to vector<1x16xf32>
      tpu.vector_store %arg7[%swap3A_608, %swap3A_609], %swap3A_612 {strides = array<i32>} : memref<256x128xf32, #tpu.memory_space<vmem>>, vector<1x16xf32>,
    }
    %scan3A_113 = arith.constant 64 : i32
    %dma_wait3A_114 = arith.constant 1 : i32
    %dma_wait3A_115 = arith.constant 1 : i32
    %dma_wait3A_116 = arith.constant 0 : i32
    %dma_wait3A_117 = tpu.memref_slice %arg6[%dma_wait3A_115, %dma_wait3A_116] : memref<4x64xi32, #tpu.memory_space<vmem>> -> memref<1x64xi32, #tpu.memory_space<vmem>>
    %dma_wait3A_118 = tpu.memref_squeeze %dma_wait3A_117 : memref<1x64xi32, #tpu.memory_space<vmem>> -> memref<64xi32, #tpu.memory_space<vmem>>
    %dma_wait3A_119 = tpu.memref_slice %arg2[%dma_wait3A_114, %mul3A_2] : memref<4x2048xi32, #tpu.memory_space<hbm>> -> memref<1x64xi32, #tpu.memory_space<hbm>>
    %dma_wait3A_120 = tpu.memref_squeeze %dma_wait3A_119 : memref<1x64xi32, #tpu.memory_space<hbm>> -> memref<64xi32, #tpu.memory_space<hbm>>
    %dma_wait3A_121 = arith.constant 0 : i32
    %dma_wait3A_122 = tpu.memref_slice %arg6[%dma_wait3A_115, %dma_wait3A_121] : memref<4x64xi32, #tpu.memory_space<vmem>> -> memref<1x64xi32, #tpu.memory_space<vmem>>
    %dma_wait3A_123 = tpu.memref_squeeze %dma_wait3A_122 : memref<1x64xi32, #tpu.memory_space<vmem>> -> memref<64xi32, #tpu.memory_space<vmem>>
    %dma_wait3A_124 = tpu.memref_slice %arg2[%dma_wait3A_114, %mul3A_2] : memref<4x2048xi32, #tpu.memory_space<hbm>> -> memref<1x64xi32, #tpu.memory_space<hbm>>
    %dma_wait3A_125 = tpu.memref_squeeze %dma_wait3A_124 : memref<1x64xi32, #tpu.memory_space<hbm>> -> memref<64xi32, #tpu.memory_space<hbm>>
    tpu.wait_dma2 semaphore(%arg13 : memref<!tpu.dma_semaphore, #tpu.memory_space<semaphore_mem>>) src(%dma_wait3A_125 : memref<64xi32, #tpu.memory_space<hbm>>) dst(%dma_wait3A_123 : memref<64xi32, #tpu.memory_space<vmem>>)
    %dma_start3A_126 = arith.constant 1 : i32
    %dma_start3A_127 = arith.constant 64 : i32
    %dma_start3A_128 = arith.constant 0 : i32
    %dma_start3A_129 = tpu.memref_slice %arg7[%dma_start3A_127, %dma_start3A_128] : memref<256x128xf32, #tpu.memory_space<vmem>> -> memref<32x128xf32, #tpu.memory_space<vmem>>
    %dma_start3A_130 = arith.constant 0 : i32
    %dma_start3A_131 = tpu.memref_slice %arg6[%dma_start3A_126, %dma_start3A_130] : memref<4x64xi32, #tpu.memory_space<vmem>> -> memref<1x32xi32, #tpu.memory_space<vmem>>
    %dma_start3A_132 = tpu.memref_squeeze %dma_start3A_131 : memref<1x32xi32, #tpu.memory_space<vmem>> -> memref<32xi32, #tpu.memory_space<vmem>>
    %dma_start3A_133 = arith.constant 0 : i32
    %dma_start3A_134 = arith.constant 0 : i32
    %dma_start3A_135 = tpu.memref_slice %arg3[%dma_start3A_133, %dma_start3A_134] : memref<100000x128xf32, #tpu.memory_space<hbm>> -> memref<100000x128xf32, #tpu.memory_space<hbm>>
    tpu.enqueue_indirect_dma source(%dma_start3A_135 : memref<100000x128xf32, #tpu.memory_space<hbm>>) target(%dma_start3A_129 : memref<32x128xf32, #tpu.memory_space<vmem>>) offsets(%dma_start3A_132 : memref<32xi32, #tpu.memory_space<vmem>>) semaphore(%arg18 : memref<!tpu.dma_semaphore, #tpu.memory_space<semaphore_mem>>) {add = true}
    %dma_start3A_136 = arith.constant 1 : i32
    %dma_start3A_137 = arith.constant 96 : i32
    %dma_start3A_138 = arith.constant 0 : i32
    %dma_start3A_139 = tpu.memref_slice %arg7[%dma_start3A_137, %dma_start3A_138] : memref<256x128xf32, #tpu.memory_space<vmem>> -> memref<32x128xf32, #tpu.memory_space<vmem>>
    %dma_start3A_140 = arith.constant 32 : i32
    %dma_start3A_141 = tpu.memref_slice %arg6[%dma_start3A_136, %dma_start3A_140] : memref<4x64xi32, #tpu.memory_space<vmem>> -> memref<1x32xi32, #tpu.memory_space<vmem>>
    %dma_start3A_142 = tpu.memref_squeeze %dma_start3A_141 : memref<1x32xi32, #tpu.memory_space<vmem>> -> memref<32xi32, #tpu.memory_space<vmem>>
    %dma_start3A_143 = arith.constant 0 : i32
    %dma_start3A_144 = arith.constant 0 : i32
    %dma_start3A_145 = tpu.memref_slice %arg3[%dma_start3A_143, %dma_start3A_144] : memref<100000x128xf32, #tpu.memory_space<hbm>> -> memref<100000x128xf32, #tpu.memory_space<hbm>>
    tpu.enqueue_indirect_dma source(%dma_start3A_145 : memref<100000x128xf32, #tpu.memory_space<hbm>>) target(%dma_start3A_139 : memref<32x128xf32, #tpu.memory_space<vmem>>) offsets(%dma_start3A_142 : memref<32xi32, #tpu.memory_space<vmem>>) semaphore(%arg19 : memref<!tpu.dma_semaphore, #tpu.memory_space<semaphore_mem>>) {add = true}
    %dma_wait3A_146 = arith.constant 0 : i32
    %dma_wait3A_147 = arith.constant 0 : i32
    %dma_wait3A_148 = arith.constant 0 : i32
    %dma_wait3A_149 = tpu.memref_slice %arg7[%dma_wait3A_147, %dma_wait3A_148] : memref<256x128xf32, #tpu.memory_space<vmem>> -> memref<32x128xf32, #tpu.memory_space<vmem>>
    %dma_wait3A_150 = arith.constant 0 : i32
    %dma_wait3A_151 = tpu.memref_slice %arg6[%dma_wait3A_146, %dma_wait3A_150] : memref<4x64xi32, #tpu.memory_space<vmem>> -> memref<1x32xi32, #tpu.memory_space<vmem>>
    %dma_wait3A_152 = tpu.memref_squeeze %dma_wait3A_151 : memref<1x32xi32, #tpu.memory_space<vmem>> -> memref<32xi32, #tpu.memory_space<vmem>>
    %dma_wait3A_153 = arith.constant 0 : i32
    %dma_wait3A_154 = arith.constant 0 : i32
    %dma_wait3A_155 = tpu.memref_slice %arg3[%dma_wait3A_153, %dma_wait3A_154] : memref<100000x128xf32, #tpu.memory_space<hbm>> -> memref<100000x128xf32, #tpu.memory_space<hbm>>
    tpu.wait_indirect_dma semaphore(%arg16 : memref<!tpu.dma_semaphore, #tpu.memory_space<semaphore_mem>>) src(%dma_wait3A_155 : memref<100000x128xf32, #tpu.memory_space<hbm>>) dst(%dma_wait3A_149 : memref<32x128xf32, #tpu.memory_space<vmem>>)
    %add3A_156 = arith.constant 0 : i32
    %add3A_157 = arith.addi %mul3A_2, %add3A_156 : i32
    %dma_start3A_158 = arith.constant 0 : i32
    %dma_start3A_159 = arith.constant 0 : i32
    %dma_start3A_160 = arith.constant 0 : i32
    %dma_start3A_161 = tpu.memref_slice %arg7[%dma_start3A_159, %dma_start3A_160] : memref<256x128xf32, #tpu.memory_space<vmem>> -> memref<32x128xf32, #tpu.memory_space<vmem>>
    %dma_start3A_162 = arith.constant 0 : i32
    %dma_start3A_163 = tpu.memref_slice %arg5[%dma_start3A_158, %add3A_157, %dma_start3A_162] : memref<4x2048x128xf32, #tpu.memory_space<hbm>> -> memref<1x32x128xf32, #tpu.memory_space<hbm>>
    %dma_start3A_164 = tpu.memref_squeeze %dma_start3A_163 : memref<1x32x128xf32, #tpu.memory_space<hbm>> -> memref<32x128xf32, #tpu.memory_space<hbm>>
    %dma_start3A_165 = arith.constant 0 : i32
    %dma_start3A_166 = tpu.memref_slice %arg5[%dma_start3A_158, %add3A_157, %dma_start3A_165] : memref<4x2048x128xf32, #tpu.memory_space<hbm>> -> memref<1x32x128xf32, #tpu.memory_space<hbm>>
    %dma_start3A_167 = tpu.memref_squeeze %dma_start3A_166 : memref<1x32x128xf32, #tpu.memory_space<hbm>> -> memref<32x128xf32, #tpu.memory_space<hbm>>
    %dma_start3A_168 = arith.constant 0 : i32
    %dma_start3A_169 = arith.constant 0 : i32
    %dma_start3A_170 = tpu.memref_slice %arg7[%dma_start3A_168, %dma_start3A_169] : memref<256x128xf32, #tpu.memory_space<vmem>> -> memref<32x128xf32, #tpu.memory_space<vmem>>
    tpu.enqueue_dma source(%dma_start3A_170 : memref<32x128xf32, #tpu.memory_space<vmem>>) target(%dma_start3A_167 : memref<32x128xf32, #tpu.memory_space<hbm>>) target_semaphore(%arg11 : memref<!tpu.dma_semaphore, #tpu.memory_space<semaphore_mem>>)
    %dma_wait3A_171 = arith.constant 0 : i32
    %dma_wait3A_172 = arith.constant 32 : i32
    %dma_wait3A_173 = arith.constant 0 : i32
    %dma_wait3A_174 = tpu.memref_slice %arg7[%dma_wait3A_172, %dma_wait3A_173] : memref<256x128xf32, #tpu.memory_space<vmem>> -> memref<32x128xf32, #tpu.memory_space<vmem>>
    %dma_wait3A_175 = arith.constant 32 : i32
    %dma_wait3A_176 = tpu.memref_slice %arg6[%dma_wait3A_171, %dma_wait3A_175] : memref<4x64xi32, #tpu.memory_space<vmem>> -> memref<1x32xi32, #tpu.memory_space<vmem>>
    %dma_wait3A_177 = tpu.memref_squeeze %dma_wait3A_176 : memref<1x32xi32, #tpu.memory_space<vmem>> -> memref<32xi32, #tpu.memory_space<vmem>>
    %dma_wait3A_178 = arith.constant 0 : i32
    %dma_wait3A_179 = arith.constant 0 : i32
    %dma_wait3A_180 = tpu.memref_slice %arg3[%dma_wait3A_178, %dma_wait3A_179] : memref<100000x128xf32, #tpu.memory_space<hbm>> -> memref<100000x128xf32, #tpu.memory_space<hbm>>
    tpu.wait_indirect_dma semaphore(%arg17 : memref<!tpu.dma_semaphore, #tpu.memory_space<semaphore_mem>>) src(%dma_wait3A_180 : memref<100000x128xf32, #tpu.memory_space<hbm>>) dst(%dma_wait3A_174 : memref<32x128xf32, #tpu.memory_space<vmem>>)
    %add3A_181 = arith.constant 32 : i32
    %add3A_182 = arith.addi %mul3A_2, %add3A_181 : i32
    %dma_start3A_183 = arith.constant 0 : i32
    %dma_start3A_184 = arith.constant 32 : i32
    %dma_start3A_185 = arith.constant 0 : i32
    %dma_start3A_186 = tpu.memref_slice %arg7[%dma_start3A_184, %dma_start3A_185] : memref<256x128xf32, #tpu.memory_space<vmem>> -> memref<32x128xf32, #tpu.memory_space<vmem>>
    %dma_start3A_187 = arith.constant 0 : i32
    %dma_start3A_188 = tpu.memref_slice %arg5[%dma_start3A_183, %add3A_182, %dma_start3A_187] : memref<4x2048x128xf32, #tpu.memory_space<hbm>> -> memref<1x32x128xf32, #tpu.memory_space<hbm>>
    %dma_start3A_189 = tpu.memref_squeeze %dma_start3A_188 : memref<1x32x128xf32, #tpu.memory_space<hbm>> -> memref<32x128xf32, #tpu.memory_space<hbm>>
    %dma_start3A_190 = arith.constant 0 : i32
    %dma_start3A_191 = tpu.memref_slice %arg5[%dma_start3A_183, %add3A_182, %dma_start3A_190] : memref<4x2048x128xf32, #tpu.memory_space<hbm>> -> memref<1x32x128xf32, #tpu.memory_space<hbm>>
    %dma_start3A_192 = tpu.memref_squeeze %dma_start3A_191 : memref<1x32x128xf32, #tpu.memory_space<hbm>> -> memref<32x128xf32, #tpu.memory_space<hbm>>
    %dma_start3A_193 = arith.constant 32 : i32
    %dma_start3A_194 = arith.constant 0 : i32
    %dma_start3A_195 = tpu.memref_slice %arg7[%dma_start3A_193, %dma_start3A_194] : memref<256x128xf32, #tpu.memory_space<vmem>> -> memref<32x128xf32, #tpu.memory_space<vmem>>
    tpu.enqueue_dma source(%dma_start3A_195 : memref<32x128xf32, #tpu.memory_space<vmem>>) target(%dma_start3A_192 : memref<32x128xf32, #tpu.memory_space<hbm>>) target_semaphore(%arg11 : memref<!tpu.dma_semaphore, #tpu.memory_space<semaphore_mem>>)
    %scan3A_196 = arith.constant 0 : i32
    %scan3A_197 = arith.constant 0 : i32
    %scan3A_198 = arith.constant 64 : i32
    %scan3A_199 = arith.addi %scan3A_197, %scan3A_198 : i32
    %scan3A_200 = arith.constant 1 : i32
    scf.for %scan3A_526 = %scan3A_197 to %scan3A_199 step %scan3A_200  : i32 {
      %get3A = arith.index_cast %scan3A_526 : i32 to index
      %get3A_527 = arith.constant 0 : index
      %get3A_528 = tpu.vector_load %arg8[%get3A, %get3A_527] {strides = array<i32>} : memref<64x128xf32, #tpu.memory_space<vmem>>, vector<1x16xf32>,
      %get3A_529 = vector.shape_cast %get3A_528 : vector<1x16xf32> to vector<16xf32>
      %add3A_530 = arith.constant 128 : i32
      %add3A_531 = arith.addi %add3A_530, %scan3A_526 : i32
      %swap3A = arith.index_cast %add3A_531 : i32 to index
      %swap3A_532 = arith.constant 0 : index
      %swap3A_533 = tpu.vector_load %arg7[%swap3A, %swap3A_532] {strides = array<i32>} : memref<256x128xf32, #tpu.memory_space<vmem>>, vector<1x16xf32>,
      %swap3A_534 = vector.shape_cast %swap3A_533 : vector<1x16xf32> to vector<16xf32>
      %swap3A_535 = vector.shape_cast %get3A_529 : vector<16xf32> to vector<1x16xf32>
      tpu.vector_store %arg7[%swap3A, %swap3A_532], %swap3A_535 {strides = array<i32>} : memref<256x128xf32, #tpu.memory_space<vmem>>, vector<1x16xf32>,
      %get3A_536 = arith.index_cast %scan3A_526 : i32 to index
      %get3A_537 = arith.constant 16 : index
      %get3A_538 = tpu.vector_load %arg8[%get3A_536, %get3A_537] {strides = array<i32>} : memref<64x128xf32, #tpu.memory_space<vmem>>, vector<1x16xf32>,
      %get3A_539 = vector.shape_cast %get3A_538 : vector<1x16xf32> to vector<16xf32>
      %add3A_540 = arith.constant 128 : i32
      %add3A_541 = arith.addi %add3A_540, %scan3A_526 : i32
      %swap3A_542 = arith.index_cast %add3A_541 : i32 to index
      %swap3A_543 = arith.constant 16 : index
      %swap3A_544 = tpu.vector_load %arg7[%swap3A_542, %swap3A_543] {strides = array<i32>} : memref<256x128xf32, #tpu.memory_space<vmem>>, vector<1x16xf32>,
      %swap3A_545 = vector.shape_cast %swap3A_544 : vector<1x16xf32> to vector<16xf32>
      %swap3A_546 = vector.shape_cast %get3A_539 : vector<16xf32> to vector<1x16xf32>
      tpu.vector_store %arg7[%swap3A_542, %swap3A_543], %swap3A_546 {strides = array<i32>} : memref<256x128xf32, #tpu.memory_space<vmem>>, vector<1x16xf32>,
      %get3A_547 = arith.index_cast %scan3A_526 : i32 to index
      %get3A_548 = arith.constant 32 : index
      %get3A_549 = tpu.vector_load %arg8[%get3A_547, %get3A_548] {strides = array<i32>} : memref<64x128xf32, #tpu.memory_space<vmem>>, vector<1x16xf32>,
      %get3A_550 = vector.shape_cast %get3A_549 : vector<1x16xf32> to vector<16xf32>
      %add3A_551 = arith.constant 128 : i32
      %add3A_552 = arith.addi %add3A_551, %scan3A_526 : i32
      %swap3A_553 = arith.index_cast %add3A_552 : i32 to index
      %swap3A_554 = arith.constant 32 : index
      %swap3A_555 = tpu.vector_load %arg7[%swap3A_553, %swap3A_554] {strides = array<i32>} : memref<256x128xf32, #tpu.memory_space<vmem>>, vector<1x16xf32>,
      %swap3A_556 = vector.shape_cast %swap3A_555 : vector<1x16xf32> to vector<16xf32>
      %swap3A_557 = vector.shape_cast %get3A_550 : vector<16xf32> to vector<1x16xf32>
      tpu.vector_store %arg7[%swap3A_553, %swap3A_554], %swap3A_557 {strides = array<i32>} : memref<256x128xf32, #tpu.memory_space<vmem>>, vector<1x16xf32>,
      %get3A_558 = arith.index_cast %scan3A_526 : i32 to index
      %get3A_559 = arith.constant 48 : index
      %get3A_560 = tpu.vector_load %arg8[%get3A_558, %get3A_559] {strides = array<i32>} : memref<64x128xf32, #tpu.memory_space<vmem>>, vector<1x16xf32>,
      %get3A_561 = vector.shape_cast %get3A_560 : vector<1x16xf32> to vector<16xf32>
      %add3A_562 = arith.constant 128 : i32
      %add3A_563 = arith.addi %add3A_562, %scan3A_526 : i32
      %swap3A_564 = arith.index_cast %add3A_563 : i32 to index
      %swap3A_565 = arith.constant 48 : index
      %swap3A_566 = tpu.vector_load %arg7[%swap3A_564, %swap3A_565] {strides = array<i32>} : memref<256x128xf32, #tpu.memory_space<vmem>>, vector<1x16xf32>,
      %swap3A_567 = vector.shape_cast %swap3A_566 : vector<1x16xf32> to vector<16xf32>
      %swap3A_568 = vector.shape_cast %get3A_561 : vector<16xf32> to vector<1x16xf32>
      tpu.vector_store %arg7[%swap3A_564, %swap3A_565], %swap3A_568 {strides = array<i32>} : memref<256x128xf32, #tpu.memory_space<vmem>>, vector<1x16xf32>,
      %get3A_569 = arith.index_cast %scan3A_526 : i32 to index
      %get3A_570 = arith.constant 64 : index
      %get3A_571 = tpu.vector_load %arg8[%get3A_569, %get3A_570] {strides = array<i32>} : memref<64x128xf32, #tpu.memory_space<vmem>>, vector<1x16xf32>,
      %get3A_572 = vector.shape_cast %get3A_571 : vector<1x16xf32> to vector<16xf32>
      %add3A_573 = arith.constant 128 : i32
      %add3A_574 = arith.addi %add3A_573, %scan3A_526 : i32
      %swap3A_575 = arith.index_cast %add3A_574 : i32 to index
      %swap3A_576 = arith.constant 64 : index
      %swap3A_577 = tpu.vector_load %arg7[%swap3A_575, %swap3A_576] {strides = array<i32>} : memref<256x128xf32, #tpu.memory_space<vmem>>, vector<1x16xf32>,
      %swap3A_578 = vector.shape_cast %swap3A_577 : vector<1x16xf32> to vector<16xf32>
      %swap3A_579 = vector.shape_cast %get3A_572 : vector<16xf32> to vector<1x16xf32>
      tpu.vector_store %arg7[%swap3A_575, %swap3A_576], %swap3A_579 {strides = array<i32>} : memref<256x128xf32, #tpu.memory_space<vmem>>, vector<1x16xf32>,
      %get3A_580 = arith.index_cast %scan3A_526 : i32 to index
      %get3A_581 = arith.constant 80 : index
      %get3A_582 = tpu.vector_load %arg8[%get3A_580, %get3A_581] {strides = array<i32>} : memref<64x128xf32, #tpu.memory_space<vmem>>, vector<1x16xf32>,
      %get3A_583 = vector.shape_cast %get3A_582 : vector<1x16xf32> to vector<16xf32>
      %add3A_584 = arith.constant 128 : i32
      %add3A_585 = arith.addi %add3A_584, %scan3A_526 : i32
      %swap3A_586 = arith.index_cast %add3A_585 : i32 to index
      %swap3A_587 = arith.constant 80 : index
      %swap3A_588 = tpu.vector_load %arg7[%swap3A_586, %swap3A_587] {strides = array<i32>} : memref<256x128xf32, #tpu.memory_space<vmem>>, vector<1x16xf32>,
      %swap3A_589 = vector.shape_cast %swap3A_588 : vector<1x16xf32> to vector<16xf32>
      %swap3A_590 = vector.shape_cast %get3A_583 : vector<16xf32> to vector<1x16xf32>
      tpu.vector_store %arg7[%swap3A_586, %swap3A_587], %swap3A_590 {strides = array<i32>} : memref<256x128xf32, #tpu.memory_space<vmem>>, vector<1x16xf32>,
      %get3A_591 = arith.index_cast %scan3A_526 : i32 to index
      %get3A_592 = arith.constant 96 : index
      %get3A_593 = tpu.vector_load %arg8[%get3A_591, %get3A_592] {strides = array<i32>} : memref<64x128xf32, #tpu.memory_space<vmem>>, vector<1x16xf32>,
      %get3A_594 = vector.shape_cast %get3A_593 : vector<1x16xf32> to vector<16xf32>
      %add3A_595 = arith.constant 128 : i32
      %add3A_596 = arith.addi %add3A_595, %scan3A_526 : i32
      %swap3A_597 = arith.index_cast %add3A_596 : i32 to index
      %swap3A_598 = arith.constant 96 : index
      %swap3A_599 = tpu.vector_load %arg7[%swap3A_597, %swap3A_598] {strides = array<i32>} : memref<256x128xf32, #tpu.memory_space<vmem>>, vector<1x16xf32>,
      %swap3A_600 = vector.shape_cast %swap3A_599 : vector<1x16xf32> to vector<16xf32>
      %swap3A_601 = vector.shape_cast %get3A_594 : vector<16xf32> to vector<1x16xf32>
      tpu.vector_store %arg7[%swap3A_597, %swap3A_598], %swap3A_601 {strides = array<i32>} : memref<256x128xf32, #tpu.memory_space<vmem>>, vector<1x16xf32>,
      %get3A_602 = arith.index_cast %scan3A_526 : i32 to index
      %get3A_603 = arith.constant 112 : index
      %get3A_604 = tpu.vector_load %arg8[%get3A_602, %get3A_603] {strides = array<i32>} : memref<64x128xf32, #tpu.memory_space<vmem>>, vector<1x16xf32>,
      %get3A_605 = vector.shape_cast %get3A_604 : vector<1x16xf32> to vector<16xf32>
      %add3A_606 = arith.constant 128 : i32
      %add3A_607 = arith.addi %add3A_606, %scan3A_526 : i32
      %swap3A_608 = arith.index_cast %add3A_607 : i32 to index
      %swap3A_609 = arith.constant 112 : index
      %swap3A_610 = tpu.vector_load %arg7[%swap3A_608, %swap3A_609] {strides = array<i32>} : memref<256x128xf32, #tpu.memory_space<vmem>>, vector<1x16xf32>,
      %swap3A_611 = vector.shape_cast %swap3A_610 : vector<1x16xf32> to vector<16xf32>
      %swap3A_612 = vector.shape_cast %get3A_605 : vector<16xf32> to vector<1x16xf32>
      tpu.vector_store %arg7[%swap3A_608, %swap3A_609], %swap3A_612 {strides = array<i32>} : memref<256x128xf32, #tpu.memory_space<vmem>>, vector<1x16xf32>,
    }
    %scan3A_201 = arith.constant 64 : i32
    %dma_wait3A_202 = arith.constant 2 : i32
    %dma_wait3A_203 = arith.constant 2 : i32
    %dma_wait3A_204 = arith.constant 0 : i32
    %dma_wait3A_205 = tpu.memref_slice %arg6[%dma_wait3A_203, %dma_wait3A_204] : memref<4x64xi32, #tpu.memory_space<vmem>> -> memref<1x64xi32, #tpu.memory_space<vmem>>
    %dma_wait3A_206 = tpu.memref_squeeze %dma_wait3A_205 : memref<1x64xi32, #tpu.memory_space<vmem>> -> memref<64xi32, #tpu.memory_space<vmem>>
    %dma_wait3A_207 = tpu.memref_slice %arg2[%dma_wait3A_202, %mul3A_2] : memref<4x2048xi32, #tpu.memory_space<hbm>> -> memref<1x64xi32, #tpu.memory_space<hbm>>
    %dma_wait3A_208 = tpu.memref_squeeze %dma_wait3A_207 : memref<1x64xi32, #tpu.memory_space<hbm>> -> memref<64xi32, #tpu.memory_space<hbm>>
    %dma_wait3A_209 = arith.constant 0 : i32
    %dma_wait3A_210 = tpu.memref_slice %arg6[%dma_wait3A_203, %dma_wait3A_209] : memref<4x64xi32, #tpu.memory_space<vmem>> -> memref<1x64xi32, #tpu.memory_space<vmem>>
    %dma_wait3A_211 = tpu.memref_squeeze %dma_wait3A_210 : memref<1x64xi32, #tpu.memory_space<vmem>> -> memref<64xi32, #tpu.memory_space<vmem>>
    %dma_wait3A_212 = tpu.memref_slice %arg2[%dma_wait3A_202, %mul3A_2] : memref<4x2048xi32, #tpu.memory_space<hbm>> -> memref<1x64xi32, #tpu.memory_space<hbm>>
    %dma_wait3A_213 = tpu.memref_squeeze %dma_wait3A_212 : memref<1x64xi32, #tpu.memory_space<hbm>> -> memref<64xi32, #tpu.memory_space<hbm>>
    tpu.wait_dma2 semaphore(%arg14 : memref<!tpu.dma_semaphore, #tpu.memory_space<semaphore_mem>>) src(%dma_wait3A_213 : memref<64xi32, #tpu.memory_space<hbm>>) dst(%dma_wait3A_211 : memref<64xi32, #tpu.memory_space<vmem>>)
    %dma_start3A_214 = arith.constant 2 : i32
    %dma_start3A_215 = arith.constant 128 : i32
    %dma_start3A_216 = arith.constant 0 : i32
    %dma_start3A_217 = tpu.memref_slice %arg7[%dma_start3A_215, %dma_start3A_216] : memref<256x128xf32, #tpu.memory_space<vmem>> -> memref<32x128xf32, #tpu.memory_space<vmem>>
    %dma_start3A_218 = arith.constant 0 : i32
    %dma_start3A_219 = tpu.memref_slice %arg6[%dma_start3A_214, %dma_start3A_218] : memref<4x64xi32, #tpu.memory_space<vmem>> -> memref<1x32xi32, #tpu.memory_space<vmem>>
    %dma_start3A_220 = tpu.memref_squeeze %dma_start3A_219 : memref<1x32xi32, #tpu.memory_space<vmem>> -> memref<32xi32, #tpu.memory_space<vmem>>
    %dma_start3A_221 = arith.constant 0 : i32
    %dma_start3A_222 = arith.constant 0 : i32
    %dma_start3A_223 = tpu.memref_slice %arg3[%dma_start3A_221, %dma_start3A_222] : memref<100000x128xf32, #tpu.memory_space<hbm>> -> memref<100000x128xf32, #tpu.memory_space<hbm>>
    tpu.enqueue_indirect_dma source(%dma_start3A_223 : memref<100000x128xf32, #tpu.memory_space<hbm>>) target(%dma_start3A_217 : memref<32x128xf32, #tpu.memory_space<vmem>>) offsets(%dma_start3A_220 : memref<32xi32, #tpu.memory_space<vmem>>) semaphore(%arg20 : memref<!tpu.dma_semaphore, #tpu.memory_space<semaphore_mem>>) {add = true}
    %dma_start3A_224 = arith.constant 2 : i32
    %dma_start3A_225 = arith.constant 160 : i32
    %dma_start3A_226 = arith.constant 0 : i32
    %dma_start3A_227 = tpu.memref_slice %arg7[%dma_start3A_225, %dma_start3A_226] : memref<256x128xf32, #tpu.memory_space<vmem>> -> memref<32x128xf32, #tpu.memory_space<vmem>>
    %dma_start3A_228 = arith.constant 32 : i32
    %dma_start3A_229 = tpu.memref_slice %arg6[%dma_start3A_224, %dma_start3A_228] : memref<4x64xi32, #tpu.memory_space<vmem>> -> memref<1x32xi32, #tpu.memory_space<vmem>>
    %dma_start3A_230 = tpu.memref_squeeze %dma_start3A_229 : memref<1x32xi32, #tpu.memory_space<vmem>> -> memref<32xi32, #tpu.memory_space<vmem>>
    %dma_start3A_231 = arith.constant 0 : i32
    %dma_start3A_232 = arith.constant 0 : i32
    %dma_start3A_233 = tpu.memref_slice %arg3[%dma_start3A_231, %dma_start3A_232] : memref<100000x128xf32, #tpu.memory_space<hbm>> -> memref<100000x128xf32, #tpu.memory_space<hbm>>
    tpu.enqueue_indirect_dma source(%dma_start3A_233 : memref<100000x128xf32, #tpu.memory_space<hbm>>) target(%dma_start3A_227 : memref<32x128xf32, #tpu.memory_space<vmem>>) offsets(%dma_start3A_230 : memref<32xi32, #tpu.memory_space<vmem>>) semaphore(%arg21 : memref<!tpu.dma_semaphore, #tpu.memory_space<semaphore_mem>>) {add = true}
    %dma_wait3A_234 = arith.constant 1 : i32
    %dma_wait3A_235 = arith.constant 64 : i32
    %dma_wait3A_236 = arith.constant 0 : i32
    %dma_wait3A_237 = tpu.memref_slice %arg7[%dma_wait3A_235, %dma_wait3A_236] : memref<256x128xf32, #tpu.memory_space<vmem>> -> memref<32x128xf32, #tpu.memory_space<vmem>>
    %dma_wait3A_238 = arith.constant 0 : i32
    %dma_wait3A_239 = tpu.memref_slice %arg6[%dma_wait3A_234, %dma_wait3A_238] : memref<4x64xi32, #tpu.memory_space<vmem>> -> memref<1x32xi32, #tpu.memory_space<vmem>>
    %dma_wait3A_240 = tpu.memref_squeeze %dma_wait3A_239 : memref<1x32xi32, #tpu.memory_space<vmem>> -> memref<32xi32, #tpu.memory_space<vmem>>
    %dma_wait3A_241 = arith.constant 0 : i32
    %dma_wait3A_242 = arith.constant 0 : i32
    %dma_wait3A_243 = tpu.memref_slice %arg3[%dma_wait3A_241, %dma_wait3A_242] : memref<100000x128xf32, #tpu.memory_space<hbm>> -> memref<100000x128xf32, #tpu.memory_space<hbm>>
    tpu.wait_indirect_dma semaphore(%arg18 : memref<!tpu.dma_semaphore, #tpu.memory_space<semaphore_mem>>) src(%dma_wait3A_243 : memref<100000x128xf32, #tpu.memory_space<hbm>>) dst(%dma_wait3A_237 : memref<32x128xf32, #tpu.memory_space<vmem>>)
    %add3A_244 = arith.constant 0 : i32
    %add3A_245 = arith.addi %mul3A_2, %add3A_244 : i32
    %dma_start3A_246 = arith.constant 1 : i32
    %dma_start3A_247 = arith.constant 64 : i32
    %dma_start3A_248 = arith.constant 0 : i32
    %dma_start3A_249 = tpu.memref_slice %arg7[%dma_start3A_247, %dma_start3A_248] : memref<256x128xf32, #tpu.memory_space<vmem>> -> memref<32x128xf32, #tpu.memory_space<vmem>>
    %dma_start3A_250 = arith.constant 0 : i32
    %dma_start3A_251 = tpu.memref_slice %arg5[%dma_start3A_246, %add3A_245, %dma_start3A_250] : memref<4x2048x128xf32, #tpu.memory_space<hbm>> -> memref<1x32x128xf32, #tpu.memory_space<hbm>>
    %dma_start3A_252 = tpu.memref_squeeze %dma_start3A_251 : memref<1x32x128xf32, #tpu.memory_space<hbm>> -> memref<32x128xf32, #tpu.memory_space<hbm>>
    %dma_start3A_253 = arith.constant 0 : i32
    %dma_start3A_254 = tpu.memref_slice %arg5[%dma_start3A_246, %add3A_245, %dma_start3A_253] : memref<4x2048x128xf32, #tpu.memory_space<hbm>> -> memref<1x32x128xf32, #tpu.memory_space<hbm>>
    %dma_start3A_255 = tpu.memref_squeeze %dma_start3A_254 : memref<1x32x128xf32, #tpu.memory_space<hbm>> -> memref<32x128xf32, #tpu.memory_space<hbm>>
    %dma_start3A_256 = arith.constant 64 : i32
    %dma_start3A_257 = arith.constant 0 : i32
    %dma_start3A_258 = tpu.memref_slice %arg7[%dma_start3A_256, %dma_start3A_257] : memref<256x128xf32, #tpu.memory_space<vmem>> -> memref<32x128xf32, #tpu.memory_space<vmem>>
    tpu.enqueue_dma source(%dma_start3A_258 : memref<32x128xf32, #tpu.memory_space<vmem>>) target(%dma_start3A_255 : memref<32x128xf32, #tpu.memory_space<hbm>>) target_semaphore(%arg11 : memref<!tpu.dma_semaphore, #tpu.memory_space<semaphore_mem>>)
    %dma_wait3A_259 = arith.constant 1 : i32
    %dma_wait3A_260 = arith.constant 96 : i32
    %dma_wait3A_261 = arith.constant 0 : i32
    %dma_wait3A_262 = tpu.memref_slice %arg7[%dma_wait3A_260, %dma_wait3A_261] : memref<256x128xf32, #tpu.memory_space<vmem>> -> memref<32x128xf32, #tpu.memory_space<vmem>>
    %dma_wait3A_263 = arith.constant 32 : i32
    %dma_wait3A_264 = tpu.memref_slice %arg6[%dma_wait3A_259, %dma_wait3A_263] : memref<4x64xi32, #tpu.memory_space<vmem>> -> memref<1x32xi32, #tpu.memory_space<vmem>>
    %dma_wait3A_265 = tpu.memref_squeeze %dma_wait3A_264 : memref<1x32xi32, #tpu.memory_space<vmem>> -> memref<32xi32, #tpu.memory_space<vmem>>
    %dma_wait3A_266 = arith.constant 0 : i32
    %dma_wait3A_267 = arith.constant 0 : i32
    %dma_wait3A_268 = tpu.memref_slice %arg3[%dma_wait3A_266, %dma_wait3A_267] : memref<100000x128xf32, #tpu.memory_space<hbm>> -> memref<100000x128xf32, #tpu.memory_space<hbm>>
    tpu.wait_indirect_dma semaphore(%arg19 : memref<!tpu.dma_semaphore, #tpu.memory_space<semaphore_mem>>) src(%dma_wait3A_268 : memref<100000x128xf32, #tpu.memory_space<hbm>>) dst(%dma_wait3A_262 : memref<32x128xf32, #tpu.memory_space<vmem>>)
    %add3A_269 = arith.constant 32 : i32
    %add3A_270 = arith.addi %mul3A_2, %add3A_269 : i32
    %dma_start3A_271 = arith.constant 1 : i32
    %dma_start3A_272 = arith.constant 96 : i32
    %dma_start3A_273 = arith.constant 0 : i32
    %dma_start3A_274 = tpu.memref_slice %arg7[%dma_start3A_272, %dma_start3A_273] : memref<256x128xf32, #tpu.memory_space<vmem>> -> memref<32x128xf32, #tpu.memory_space<vmem>>
    %dma_start3A_275 = arith.constant 0 : i32
    %dma_start3A_276 = tpu.memref_slice %arg5[%dma_start3A_271, %add3A_270, %dma_start3A_275] : memref<4x2048x128xf32, #tpu.memory_space<hbm>> -> memref<1x32x128xf32, #tpu.memory_space<hbm>>
    %dma_start3A_277 = tpu.memref_squeeze %dma_start3A_276 : memref<1x32x128xf32, #tpu.memory_space<hbm>> -> memref<32x128xf32, #tpu.memory_space<hbm>>
    %dma_start3A_278 = arith.constant 0 : i32
    %dma_start3A_279 = tpu.memref_slice %arg5[%dma_start3A_271, %add3A_270, %dma_start3A_278] : memref<4x2048x128xf32, #tpu.memory_space<hbm>> -> memref<1x32x128xf32, #tpu.memory_space<hbm>>
    %dma_start3A_280 = tpu.memref_squeeze %dma_start3A_279 : memref<1x32x128xf32, #tpu.memory_space<hbm>> -> memref<32x128xf32, #tpu.memory_space<hbm>>
    %dma_start3A_281 = arith.constant 96 : i32
    %dma_start3A_282 = arith.constant 0 : i32
    %dma_start3A_283 = tpu.memref_slice %arg7[%dma_start3A_281, %dma_start3A_282] : memref<256x128xf32, #tpu.memory_space<vmem>> -> memref<32x128xf32, #tpu.memory_space<vmem>>
    tpu.enqueue_dma source(%dma_start3A_283 : memref<32x128xf32, #tpu.memory_space<vmem>>) target(%dma_start3A_280 : memref<32x128xf32, #tpu.memory_space<hbm>>) target_semaphore(%arg11 : memref<!tpu.dma_semaphore, #tpu.memory_space<semaphore_mem>>)
    %scan3A_284 = arith.constant 0 : i32
    %scan3A_285 = arith.constant 0 : i32
    %scan3A_286 = arith.constant 64 : i32
    %scan3A_287 = arith.addi %scan3A_285, %scan3A_286 : i32
    %scan3A_288 = arith.constant 1 : i32
    scf.for %scan3A_526 = %scan3A_285 to %scan3A_287 step %scan3A_288  : i32 {
      %get3A = arith.index_cast %scan3A_526 : i32 to index
      %get3A_527 = arith.constant 0 : index
      %get3A_528 = tpu.vector_load %arg8[%get3A, %get3A_527] {strides = array<i32>} : memref<64x128xf32, #tpu.memory_space<vmem>>, vector<1x16xf32>,
      %get3A_529 = vector.shape_cast %get3A_528 : vector<1x16xf32> to vector<16xf32>
      %add3A_530 = arith.constant 192 : i32
      %add3A_531 = arith.addi %add3A_530, %scan3A_526 : i32
      %swap3A = arith.index_cast %add3A_531 : i32 to index
      %swap3A_532 = arith.constant 0 : index
      %swap3A_533 = tpu.vector_load %arg7[%swap3A, %swap3A_532] {strides = array<i32>} : memref<256x128xf32, #tpu.memory_space<vmem>>, vector<1x16xf32>,
      %swap3A_534 = vector.shape_cast %swap3A_533 : vector<1x16xf32> to vector<16xf32>
      %swap3A_535 = vector.shape_cast %get3A_529 : vector<16xf32> to vector<1x16xf32>
      tpu.vector_store %arg7[%swap3A, %swap3A_532], %swap3A_535 {strides = array<i32>} : memref<256x128xf32, #tpu.memory_space<vmem>>, vector<1x16xf32>,
      %get3A_536 = arith.index_cast %scan3A_526 : i32 to index
      %get3A_537 = arith.constant 16 : index
      %get3A_538 = tpu.vector_load %arg8[%get3A_536, %get3A_537] {strides = array<i32>} : memref<64x128xf32, #tpu.memory_space<vmem>>, vector<1x16xf32>,
      %get3A_539 = vector.shape_cast %get3A_538 : vector<1x16xf32> to vector<16xf32>
      %add3A_540 = arith.constant 192 : i32
      %add3A_541 = arith.addi %add3A_540, %scan3A_526 : i32
      %swap3A_542 = arith.index_cast %add3A_541 : i32 to index
      %swap3A_543 = arith.constant 16 : index
      %swap3A_544 = tpu.vector_load %arg7[%swap3A_542, %swap3A_543] {strides = array<i32>} : memref<256x128xf32, #tpu.memory_space<vmem>>, vector<1x16xf32>,
      %swap3A_545 = vector.shape_cast %swap3A_544 : vector<1x16xf32> to vector<16xf32>
      %swap3A_546 = vector.shape_cast %get3A_539 : vector<16xf32> to vector<1x16xf32>
      tpu.vector_store %arg7[%swap3A_542, %swap3A_543], %swap3A_546 {strides = array<i32>} : memref<256x128xf32, #tpu.memory_space<vmem>>, vector<1x16xf32>,
      %get3A_547 = arith.index_cast %scan3A_526 : i32 to index
      %get3A_548 = arith.constant 32 : index
      %get3A_549 = tpu.vector_load %arg8[%get3A_547, %get3A_548] {strides = array<i32>} : memref<64x128xf32, #tpu.memory_space<vmem>>, vector<1x16xf32>,
      %get3A_550 = vector.shape_cast %get3A_549 : vector<1x16xf32> to vector<16xf32>
      %add3A_551 = arith.constant 192 : i32
      %add3A_552 = arith.addi %add3A_551, %scan3A_526 : i32
      %swap3A_553 = arith.index_cast %add3A_552 : i32 to index
      %swap3A_554 = arith.constant 32 : index
      %swap3A_555 = tpu.vector_load %arg7[%swap3A_553, %swap3A_554] {strides = array<i32>} : memref<256x128xf32, #tpu.memory_space<vmem>>, vector<1x16xf32>,
      %swap3A_556 = vector.shape_cast %swap3A_555 : vector<1x16xf32> to vector<16xf32>
      %swap3A_557 = vector.shape_cast %get3A_550 : vector<16xf32> to vector<1x16xf32>
      tpu.vector_store %arg7[%swap3A_553, %swap3A_554], %swap3A_557 {strides = array<i32>} : memref<256x128xf32, #tpu.memory_space<vmem>>, vector<1x16xf32>,
      %get3A_558 = arith.index_cast %scan3A_526 : i32 to index
      %get3A_559 = arith.constant 48 : index
      %get3A_560 = tpu.vector_load %arg8[%get3A_558, %get3A_559] {strides = array<i32>} : memref<64x128xf32, #tpu.memory_space<vmem>>, vector<1x16xf32>,
      %get3A_561 = vector.shape_cast %get3A_560 : vector<1x16xf32> to vector<16xf32>
      %add3A_562 = arith.constant 192 : i32
      %add3A_563 = arith.addi %add3A_562, %scan3A_526 : i32
      %swap3A_564 = arith.index_cast %add3A_563 : i32 to index
      %swap3A_565 = arith.constant 48 : index
      %swap3A_566 = tpu.vector_load %arg7[%swap3A_564, %swap3A_565] {strides = array<i32>} : memref<256x128xf32, #tpu.memory_space<vmem>>, vector<1x16xf32>,
      %swap3A_567 = vector.shape_cast %swap3A_566 : vector<1x16xf32> to vector<16xf32>
      %swap3A_568 = vector.shape_cast %get3A_561 : vector<16xf32> to vector<1x16xf32>
      tpu.vector_store %arg7[%swap3A_564, %swap3A_565], %swap3A_568 {strides = array<i32>} : memref<256x128xf32, #tpu.memory_space<vmem>>, vector<1x16xf32>,
      %get3A_569 = arith.index_cast %scan3A_526 : i32 to index
      %get3A_570 = arith.constant 64 : index
      %get3A_571 = tpu.vector_load %arg8[%get3A_569, %get3A_570] {strides = array<i32>} : memref<64x128xf32, #tpu.memory_space<vmem>>, vector<1x16xf32>,
      %get3A_572 = vector.shape_cast %get3A_571 : vector<1x16xf32> to vector<16xf32>
      %add3A_573 = arith.constant 192 : i32
      %add3A_574 = arith.addi %add3A_573, %scan3A_526 : i32
      %swap3A_575 = arith.index_cast %add3A_574 : i32 to index
      %swap3A_576 = arith.constant 64 : index
      %swap3A_577 = tpu.vector_load %arg7[%swap3A_575, %swap3A_576] {strides = array<i32>} : memref<256x128xf32, #tpu.memory_space<vmem>>, vector<1x16xf32>,
      %swap3A_578 = vector.shape_cast %swap3A_577 : vector<1x16xf32> to vector<16xf32>
      %swap3A_579 = vector.shape_cast %get3A_572 : vector<16xf32> to vector<1x16xf32>
      tpu.vector_store %arg7[%swap3A_575, %swap3A_576], %swap3A_579 {strides = array<i32>} : memref<256x128xf32, #tpu.memory_space<vmem>>, vector<1x16xf32>,
      %get3A_580 = arith.index_cast %scan3A_526 : i32 to index
      %get3A_581 = arith.constant 80 : index
      %get3A_582 = tpu.vector_load %arg8[%get3A_580, %get3A_581] {strides = array<i32>} : memref<64x128xf32, #tpu.memory_space<vmem>>, vector<1x16xf32>,
      %get3A_583 = vector.shape_cast %get3A_582 : vector<1x16xf32> to vector<16xf32>
      %add3A_584 = arith.constant 192 : i32
      %add3A_585 = arith.addi %add3A_584, %scan3A_526 : i32
      %swap3A_586 = arith.index_cast %add3A_585 : i32 to index
      %swap3A_587 = arith.constant 80 : index
      %swap3A_588 = tpu.vector_load %arg7[%swap3A_586, %swap3A_587] {strides = array<i32>} : memref<256x128xf32, #tpu.memory_space<vmem>>, vector<1x16xf32>,
      %swap3A_589 = vector.shape_cast %swap3A_588 : vector<1x16xf32> to vector<16xf32>
      %swap3A_590 = vector.shape_cast %get3A_583 : vector<16xf32> to vector<1x16xf32>
      tpu.vector_store %arg7[%swap3A_586, %swap3A_587], %swap3A_590 {strides = array<i32>} : memref<256x128xf32, #tpu.memory_space<vmem>>, vector<1x16xf32>,
      %get3A_591 = arith.index_cast %scan3A_526 : i32 to index
      %get3A_592 = arith.constant 96 : index
      %get3A_593 = tpu.vector_load %arg8[%get3A_591, %get3A_592] {strides = array<i32>} : memref<64x128xf32, #tpu.memory_space<vmem>>, vector<1x16xf32>,
      %get3A_594 = vector.shape_cast %get3A_593 : vector<1x16xf32> to vector<16xf32>
      %add3A_595 = arith.constant 192 : i32
      %add3A_596 = arith.addi %add3A_595, %scan3A_526 : i32
      %swap3A_597 = arith.index_cast %add3A_596 : i32 to index
      %swap3A_598 = arith.constant 96 : index
      %swap3A_599 = tpu.vector_load %arg7[%swap3A_597, %swap3A_598] {strides = array<i32>} : memref<256x128xf32, #tpu.memory_space<vmem>>, vector<1x16xf32>,
      %swap3A_600 = vector.shape_cast %swap3A_599 : vector<1x16xf32> to vector<16xf32>
      %swap3A_601 = vector.shape_cast %get3A_594 : vector<16xf32> to vector<1x16xf32>
      tpu.vector_store %arg7[%swap3A_597, %swap3A_598], %swap3A_601 {strides = array<i32>} : memref<256x128xf32, #tpu.memory_space<vmem>>, vector<1x16xf32>,
      %get3A_602 = arith.index_cast %scan3A_526 : i32 to index
      %get3A_603 = arith.constant 112 : index
      %get3A_604 = tpu.vector_load %arg8[%get3A_602, %get3A_603] {strides = array<i32>} : memref<64x128xf32, #tpu.memory_space<vmem>>, vector<1x16xf32>,
      %get3A_605 = vector.shape_cast %get3A_604 : vector<1x16xf32> to vector<16xf32>
      %add3A_606 = arith.constant 192 : i32
      %add3A_607 = arith.addi %add3A_606, %scan3A_526 : i32
      %swap3A_608 = arith.index_cast %add3A_607 : i32 to index
      %swap3A_609 = arith.constant 112 : index
      %swap3A_610 = tpu.vector_load %arg7[%swap3A_608, %swap3A_609] {strides = array<i32>} : memref<256x128xf32, #tpu.memory_space<vmem>>, vector<1x16xf32>,
      %swap3A_611 = vector.shape_cast %swap3A_610 : vector<1x16xf32> to vector<16xf32>
      %swap3A_612 = vector.shape_cast %get3A_605 : vector<16xf32> to vector<1x16xf32>
      tpu.vector_store %arg7[%swap3A_608, %swap3A_609], %swap3A_612 {strides = array<i32>} : memref<256x128xf32, #tpu.memory_space<vmem>>, vector<1x16xf32>,
    }
    %scan3A_289 = arith.constant 64 : i32
    %dma_wait3A_290 = arith.constant 3 : i32
    %dma_wait3A_291 = arith.constant 3 : i32
    %dma_wait3A_292 = arith.constant 0 : i32
    %dma_wait3A_293 = tpu.memref_slice %arg6[%dma_wait3A_291, %dma_wait3A_292] : memref<4x64xi32, #tpu.memory_space<vmem>> -> memref<1x64xi32, #tpu.memory_space<vmem>>
    %dma_wait3A_294 = tpu.memref_squeeze %dma_wait3A_293 : memref<1x64xi32, #tpu.memory_space<vmem>> -> memref<64xi32, #tpu.memory_space<vmem>>
    %dma_wait3A_295 = tpu.memref_slice %arg2[%dma_wait3A_290, %mul3A_2] : memref<4x2048xi32, #tpu.memory_space<hbm>> -> memref<1x64xi32, #tpu.memory_space<hbm>>
    %dma_wait3A_296 = tpu.memref_squeeze %dma_wait3A_295 : memref<1x64xi32, #tpu.memory_space<hbm>> -> memref<64xi32, #tpu.memory_space<hbm>>
    %dma_wait3A_297 = arith.constant 0 : i32
    %dma_wait3A_298 = tpu.memref_slice %arg6[%dma_wait3A_291, %dma_wait3A_297] : memref<4x64xi32, #tpu.memory_space<vmem>> -> memref<1x64xi32, #tpu.memory_space<vmem>>
    %dma_wait3A_299 = tpu.memref_squeeze %dma_wait3A_298 : memref<1x64xi32, #tpu.memory_space<vmem>> -> memref<64xi32, #tpu.memory_space<vmem>>
    %dma_wait3A_300 = tpu.memref_slice %arg2[%dma_wait3A_290, %mul3A_2] : memref<4x2048xi32, #tpu.memory_space<hbm>> -> memref<1x64xi32, #tpu.memory_space<hbm>>
    %dma_wait3A_301 = tpu.memref_squeeze %dma_wait3A_300 : memref<1x64xi32, #tpu.memory_space<hbm>> -> memref<64xi32, #tpu.memory_space<hbm>>
    tpu.wait_dma2 semaphore(%arg15 : memref<!tpu.dma_semaphore, #tpu.memory_space<semaphore_mem>>) src(%dma_wait3A_301 : memref<64xi32, #tpu.memory_space<hbm>>) dst(%dma_wait3A_299 : memref<64xi32, #tpu.memory_space<vmem>>)
    %dma_start3A_302 = arith.constant 3 : i32
    %dma_start3A_303 = arith.constant 192 : i32
    %dma_start3A_304 = arith.constant 0 : i32
    %dma_start3A_305 = tpu.memref_slice %arg7[%dma_start3A_303, %dma_start3A_304] : memref<256x128xf32, #tpu.memory_space<vmem>> -> memref<32x128xf32, #tpu.memory_space<vmem>>
    %dma_start3A_306 = arith.constant 0 : i32
    %dma_start3A_307 = tpu.memref_slice %arg6[%dma_start3A_302, %dma_start3A_306] : memref<4x64xi32, #tpu.memory_space<vmem>> -> memref<1x32xi32, #tpu.memory_space<vmem>>
    %dma_start3A_308 = tpu.memref_squeeze %dma_start3A_307 : memref<1x32xi32, #tpu.memory_space<vmem>> -> memref<32xi32, #tpu.memory_space<vmem>>
    %dma_start3A_309 = arith.constant 0 : i32
    %dma_start3A_310 = arith.constant 0 : i32
    %dma_start3A_311 = tpu.memref_slice %arg3[%dma_start3A_309, %dma_start3A_310] : memref<100000x128xf32, #tpu.memory_space<hbm>> -> memref<100000x128xf32, #tpu.memory_space<hbm>>
    tpu.enqueue_indirect_dma source(%dma_start3A_311 : memref<100000x128xf32, #tpu.memory_space<hbm>>) target(%dma_start3A_305 : memref<32x128xf32, #tpu.memory_space<vmem>>) offsets(%dma_start3A_308 : memref<32xi32, #tpu.memory_space<vmem>>) semaphore(%arg22 : memref<!tpu.dma_semaphore, #tpu.memory_space<semaphore_mem>>) {add = true}
    %dma_start3A_312 = arith.constant 3 : i32
    %dma_start3A_313 = arith.constant 224 : i32
    %dma_start3A_314 = arith.constant 0 : i32
    %dma_start3A_315 = tpu.memref_slice %arg7[%dma_start3A_313, %dma_start3A_314] : memref<256x128xf32, #tpu.memory_space<vmem>> -> memref<32x128xf32, #tpu.memory_space<vmem>>
    %dma_start3A_316 = arith.constant 32 : i32
    %dma_start3A_317 = tpu.memref_slice %arg6[%dma_start3A_312, %dma_start3A_316] : memref<4x64xi32, #tpu.memory_space<vmem>> -> memref<1x32xi32, #tpu.memory_space<vmem>>
    %dma_start3A_318 = tpu.memref_squeeze %dma_start3A_317 : memref<1x32xi32, #tpu.memory_space<vmem>> -> memref<32xi32, #tpu.memory_space<vmem>>
    %dma_start3A_319 = arith.constant 0 : i32
    %dma_start3A_320 = arith.constant 0 : i32
    %dma_start3A_321 = tpu.memref_slice %arg3[%dma_start3A_319, %dma_start3A_320] : memref<100000x128xf32, #tpu.memory_space<hbm>> -> memref<100000x128xf32, #tpu.memory_space<hbm>>
    tpu.enqueue_indirect_dma source(%dma_start3A_321 : memref<100000x128xf32, #tpu.memory_space<hbm>>) target(%dma_start3A_315 : memref<32x128xf32, #tpu.memory_space<vmem>>) offsets(%dma_start3A_318 : memref<32xi32, #tpu.memory_space<vmem>>) semaphore(%arg23 : memref<!tpu.dma_semaphore, #tpu.memory_space<semaphore_mem>>) {add = true}
    %dma_wait3A_322 = arith.constant 2 : i32
    %dma_wait3A_323 = arith.constant 128 : i32
    %dma_wait3A_324 = arith.constant 0 : i32
    %dma_wait3A_325 = tpu.memref_slice %arg7[%dma_wait3A_323, %dma_wait3A_324] : memref<256x128xf32, #tpu.memory_space<vmem>> -> memref<32x128xf32, #tpu.memory_space<vmem>>
    %dma_wait3A_326 = arith.constant 0 : i32
    %dma_wait3A_327 = tpu.memref_slice %arg6[%dma_wait3A_322, %dma_wait3A_326] : memref<4x64xi32, #tpu.memory_space<vmem>> -> memref<1x32xi32, #tpu.memory_space<vmem>>
    %dma_wait3A_328 = tpu.memref_squeeze %dma_wait3A_327 : memref<1x32xi32, #tpu.memory_space<vmem>> -> memref<32xi32, #tpu.memory_space<vmem>>
    %dma_wait3A_329 = arith.constant 0 : i32
    %dma_wait3A_330 = arith.constant 0 : i32
    %dma_wait3A_331 = tpu.memref_slice %arg3[%dma_wait3A_329, %dma_wait3A_330] : memref<100000x128xf32, #tpu.memory_space<hbm>> -> memref<100000x128xf32, #tpu.memory_space<hbm>>
    tpu.wait_indirect_dma semaphore(%arg20 : memref<!tpu.dma_semaphore, #tpu.memory_space<semaphore_mem>>) src(%dma_wait3A_331 : memref<100000x128xf32, #tpu.memory_space<hbm>>) dst(%dma_wait3A_325 : memref<32x128xf32, #tpu.memory_space<vmem>>)
    %add3A_332 = arith.constant 0 : i32
    %add3A_333 = arith.addi %mul3A_2, %add3A_332 : i32
    %dma_start3A_334 = arith.constant 2 : i32
    %dma_start3A_335 = arith.constant 128 : i32
    %dma_start3A_336 = arith.constant 0 : i32
    %dma_start3A_337 = tpu.memref_slice %arg7[%dma_start3A_335, %dma_start3A_336] : memref<256x128xf32, #tpu.memory_space<vmem>> -> memref<32x128xf32, #tpu.memory_space<vmem>>
    %dma_start3A_338 = arith.constant 0 : i32
    %dma_start3A_339 = tpu.memref_slice %arg5[%dma_start3A_334, %add3A_333, %dma_start3A_338] : memref<4x2048x128xf32, #tpu.memory_space<hbm>> -> memref<1x32x128xf32, #tpu.memory_space<hbm>>
    %dma_start3A_340 = tpu.memref_squeeze %dma_start3A_339 : memref<1x32x128xf32, #tpu.memory_space<hbm>> -> memref<32x128xf32, #tpu.memory_space<hbm>>
    %dma_start3A_341 = arith.constant 0 : i32
    %dma_start3A_342 = tpu.memref_slice %arg5[%dma_start3A_334, %add3A_333, %dma_start3A_341] : memref<4x2048x128xf32, #tpu.memory_space<hbm>> -> memref<1x32x128xf32, #tpu.memory_space<hbm>>
    %dma_start3A_343 = tpu.memref_squeeze %dma_start3A_342 : memref<1x32x128xf32, #tpu.memory_space<hbm>> -> memref<32x128xf32, #tpu.memory_space<hbm>>
    %dma_start3A_344 = arith.constant 128 : i32
    %dma_start3A_345 = arith.constant 0 : i32
    %dma_start3A_346 = tpu.memref_slice %arg7[%dma_start3A_344, %dma_start3A_345] : memref<256x128xf32, #tpu.memory_space<vmem>> -> memref<32x128xf32, #tpu.memory_space<vmem>>
    tpu.enqueue_dma source(%dma_start3A_346 : memref<32x128xf32, #tpu.memory_space<vmem>>) target(%dma_start3A_343 : memref<32x128xf32, #tpu.memory_space<hbm>>) target_semaphore(%arg11 : memref<!tpu.dma_semaphore, #tpu.memory_space<semaphore_mem>>)
    %dma_wait3A_347 = arith.constant 2 : i32
    %dma_wait3A_348 = arith.constant 160 : i32
    %dma_wait3A_349 = arith.constant 0 : i32
    %dma_wait3A_350 = tpu.memref_slice %arg7[%dma_wait3A_348, %dma_wait3A_349] : memref<256x128xf32, #tpu.memory_space<vmem>> -> memref<32x128xf32, #tpu.memory_space<vmem>>
    %dma_wait3A_351 = arith.constant 32 : i32
    %dma_wait3A_352 = tpu.memref_slice %arg6[%dma_wait3A_347, %dma_wait3A_351] : memref<4x64xi32, #tpu.memory_space<vmem>> -> memref<1x32xi32, #tpu.memory_space<vmem>>
    %dma_wait3A_353 = tpu.memref_squeeze %dma_wait3A_352 : memref<1x32xi32, #tpu.memory_space<vmem>> -> memref<32xi32, #tpu.memory_space<vmem>>
    %dma_wait3A_354 = arith.constant 0 : i32
    %dma_wait3A_355 = arith.constant 0 : i32
    %dma_wait3A_356 = tpu.memref_slice %arg3[%dma_wait3A_354, %dma_wait3A_355] : memref<100000x128xf32, #tpu.memory_space<hbm>> -> memref<100000x128xf32, #tpu.memory_space<hbm>>
    tpu.wait_indirect_dma semaphore(%arg21 : memref<!tpu.dma_semaphore, #tpu.memory_space<semaphore_mem>>) src(%dma_wait3A_356 : memref<100000x128xf32, #tpu.memory_space<hbm>>) dst(%dma_wait3A_350 : memref<32x128xf32, #tpu.memory_space<vmem>>)
    %add3A_357 = arith.constant 32 : i32
    %add3A_358 = arith.addi %mul3A_2, %add3A_357 : i32
    %dma_start3A_359 = arith.constant 2 : i32
    %dma_start3A_360 = arith.constant 160 : i32
    %dma_start3A_361 = arith.constant 0 : i32
    %dma_start3A_362 = tpu.memref_slice %arg7[%dma_start3A_360, %dma_start3A_361] : memref<256x128xf32, #tpu.memory_space<vmem>> -> memref<32x128xf32, #tpu.memory_space<vmem>>
    %dma_start3A_363 = arith.constant 0 : i32
    %dma_start3A_364 = tpu.memref_slice %arg5[%dma_start3A_359, %add3A_358, %dma_start3A_363] : memref<4x2048x128xf32, #tpu.memory_space<hbm>> -> memref<1x32x128xf32, #tpu.memory_space<hbm>>
    %dma_start3A_365 = tpu.memref_squeeze %dma_start3A_364 : memref<1x32x128xf32, #tpu.memory_space<hbm>> -> memref<32x128xf32, #tpu.memory_space<hbm>>
    %dma_start3A_366 = arith.constant 0 : i32
    %dma_start3A_367 = tpu.memref_slice %arg5[%dma_start3A_359, %add3A_358, %dma_start3A_366] : memref<4x2048x128xf32, #tpu.memory_space<hbm>> -> memref<1x32x128xf32, #tpu.memory_space<hbm>>
    %dma_start3A_368 = tpu.memref_squeeze %dma_start3A_367 : memref<1x32x128xf32, #tpu.memory_space<hbm>> -> memref<32x128xf32, #tpu.memory_space<hbm>>
    %dma_start3A_369 = arith.constant 160 : i32
    %dma_start3A_370 = arith.constant 0 : i32
    %dma_start3A_371 = tpu.memref_slice %arg7[%dma_start3A_369, %dma_start3A_370] : memref<256x128xf32, #tpu.memory_space<vmem>> -> memref<32x128xf32, #tpu.memory_space<vmem>>
    tpu.enqueue_dma source(%dma_start3A_371 : memref<32x128xf32, #tpu.memory_space<vmem>>) target(%dma_start3A_368 : memref<32x128xf32, #tpu.memory_space<hbm>>) target_semaphore(%arg11 : memref<!tpu.dma_semaphore, #tpu.memory_space<semaphore_mem>>)
    %dma_wait3A_372 = arith.constant 3 : i32
    %dma_wait3A_373 = arith.constant 192 : i32
    %dma_wait3A_374 = arith.constant 0 : i32
    %dma_wait3A_375 = tpu.memref_slice %arg7[%dma_wait3A_373, %dma_wait3A_374] : memref<256x128xf32, #tpu.memory_space<vmem>> -> memref<32x128xf32, #tpu.memory_space<vmem>>
    %dma_wait3A_376 = arith.constant 0 : i32
    %dma_wait3A_377 = tpu.memref_slice %arg6[%dma_wait3A_372, %dma_wait3A_376] : memref<4x64xi32, #tpu.memory_space<vmem>> -> memref<1x32xi32, #tpu.memory_space<vmem>>
    %dma_wait3A_378 = tpu.memref_squeeze %dma_wait3A_377 : memref<1x32xi32, #tpu.memory_space<vmem>> -> memref<32xi32, #tpu.memory_space<vmem>>
    %dma_wait3A_379 = arith.constant 0 : i32
    %dma_wait3A_380 = arith.constant 0 : i32
    %dma_wait3A_381 = tpu.memref_slice %arg3[%dma_wait3A_379, %dma_wait3A_380] : memref<100000x128xf32, #tpu.memory_space<hbm>> -> memref<100000x128xf32, #tpu.memory_space<hbm>>
    tpu.wait_indirect_dma semaphore(%arg22 : memref<!tpu.dma_semaphore, #tpu.memory_space<semaphore_mem>>) src(%dma_wait3A_381 : memref<100000x128xf32, #tpu.memory_space<hbm>>) dst(%dma_wait3A_375 : memref<32x128xf32, #tpu.memory_space<vmem>>)
    %add3A_382 = arith.constant 0 : i32
    %add3A_383 = arith.addi %mul3A_2, %add3A_382 : i32
    %dma_start3A_384 = arith.constant 3 : i32
    %dma_start3A_385 = arith.constant 192 : i32
    %dma_start3A_386 = arith.constant 0 : i32
    %dma_start3A_387 = tpu.memref_slice %arg7[%dma_start3A_385, %dma_start3A_386] : memref<256x128xf32, #tpu.memory_space<vmem>> -> memref<32x128xf32, #tpu.memory_space<vmem>>
    %dma_start3A_388 = arith.constant 0 : i32
    %dma_start3A_389 = tpu.memref_slice %arg5[%dma_start3A_384, %add3A_383, %dma_start3A_388] : memref<4x2048x128xf32, #tpu.memory_space<hbm>> -> memref<1x32x128xf32, #tpu.memory_space<hbm>>
    %dma_start3A_390 = tpu.memref_squeeze %dma_start3A_389 : memref<1x32x128xf32, #tpu.memory_space<hbm>> -> memref<32x128xf32, #tpu.memory_space<hbm>>
    %dma_start3A_391 = arith.constant 0 : i32
    %dma_start3A_392 = tpu.memref_slice %arg5[%dma_start3A_384, %add3A_383, %dma_start3A_391] : memref<4x2048x128xf32, #tpu.memory_space<hbm>> -> memref<1x32x128xf32, #tpu.memory_space<hbm>>
    %dma_start3A_393 = tpu.memref_squeeze %dma_start3A_392 : memref<1x32x128xf32, #tpu.memory_space<hbm>> -> memref<32x128xf32, #tpu.memory_space<hbm>>
    %dma_start3A_394 = arith.constant 192 : i32
    %dma_start3A_395 = arith.constant 0 : i32
    %dma_start3A_396 = tpu.memref_slice %arg7[%dma_start3A_394, %dma_start3A_395] : memref<256x128xf32, #tpu.memory_space<vmem>> -> memref<32x128xf32, #tpu.memory_space<vmem>>
    tpu.enqueue_dma source(%dma_start3A_396 : memref<32x128xf32, #tpu.memory_space<vmem>>) target(%dma_start3A_393 : memref<32x128xf32, #tpu.memory_space<hbm>>) target_semaphore(%arg11 : memref<!tpu.dma_semaphore, #tpu.memory_space<semaphore_mem>>)
    %dma_wait3A_397 = arith.constant 3 : i32
    %dma_wait3A_398 = arith.constant 224 : i32
    %dma_wait3A_399 = arith.constant 0 : i32
    %dma_wait3A_400 = tpu.memref_slice %arg7[%dma_wait3A_398, %dma_wait3A_399] : memref<256x128xf32, #tpu.memory_space<vmem>> -> memref<32x128xf32, #tpu.memory_space<vmem>>
    %dma_wait3A_401 = arith.constant 32 : i32
    %dma_wait3A_402 = tpu.memref_slice %arg6[%dma_wait3A_397, %dma_wait3A_401] : memref<4x64xi32, #tpu.memory_space<vmem>> -> memref<1x32xi32, #tpu.memory_space<vmem>>
    %dma_wait3A_403 = tpu.memref_squeeze %dma_wait3A_402 : memref<1x32xi32, #tpu.memory_space<vmem>> -> memref<32xi32, #tpu.memory_space<vmem>>
    %dma_wait3A_404 = arith.constant 0 : i32
    %dma_wait3A_405 = arith.constant 0 : i32
    %dma_wait3A_406 = tpu.memref_slice %arg3[%dma_wait3A_404, %dma_wait3A_405] : memref<100000x128xf32, #tpu.memory_space<hbm>> -> memref<100000x128xf32, #tpu.memory_space<hbm>>
    tpu.wait_indirect_dma semaphore(%arg23 : memref<!tpu.dma_semaphore, #tpu.memory_space<semaphore_mem>>) src(%dma_wait3A_406 : memref<100000x128xf32, #tpu.memory_space<hbm>>) dst(%dma_wait3A_400 : memref<32x128xf32, #tpu.memory_space<vmem>>)
    %add3A_407 = arith.constant 32 : i32
    %add3A_408 = arith.addi %mul3A_2, %add3A_407 : i32
    %dma_start3A_409 = arith.constant 3 : i32
    %dma_start3A_410 = arith.constant 224 : i32
    %dma_start3A_411 = arith.constant 0 : i32
    %dma_start3A_412 = tpu.memref_slice %arg7[%dma_start3A_410, %dma_start3A_411] : memref<256x128xf32, #tpu.memory_space<vmem>> -> memref<32x128xf32, #tpu.memory_space<vmem>>
    %dma_start3A_413 = arith.constant 0 : i32
    %dma_start3A_414 = tpu.memref_slice %arg5[%dma_start3A_409, %add3A_408, %dma_start3A_413] : memref<4x2048x128xf32, #tpu.memory_space<hbm>> -> memref<1x32x128xf32, #tpu.memory_space<hbm>>
    %dma_start3A_415 = tpu.memref_squeeze %dma_start3A_414 : memref<1x32x128xf32, #tpu.memory_space<hbm>> -> memref<32x128xf32, #tpu.memory_space<hbm>>
    %dma_start3A_416 = arith.constant 0 : i32
    %dma_start3A_417 = tpu.memref_slice %arg5[%dma_start3A_409, %add3A_408, %dma_start3A_416] : memref<4x2048x128xf32, #tpu.memory_space<hbm>> -> memref<1x32x128xf32, #tpu.memory_space<hbm>>
    %dma_start3A_418 = tpu.memref_squeeze %dma_start3A_417 : memref<1x32x128xf32, #tpu.memory_space<hbm>> -> memref<32x128xf32, #tpu.memory_space<hbm>>
    %dma_start3A_419 = arith.constant 224 : i32
    %dma_start3A_420 = arith.constant 0 : i32
    %dma_start3A_421 = tpu.memref_slice %arg7[%dma_start3A_419, %dma_start3A_420] : memref<256x128xf32, #tpu.memory_space<vmem>> -> memref<32x128xf32, #tpu.memory_space<vmem>>
    tpu.enqueue_dma source(%dma_start3A_421 : memref<32x128xf32, #tpu.memory_space<vmem>>) target(%dma_start3A_418 : memref<32x128xf32, #tpu.memory_space<hbm>>) target_semaphore(%arg11 : memref<!tpu.dma_semaphore, #tpu.memory_space<semaphore_mem>>)
    %dma_wait3A_422 = arith.constant 0 : i32
    %dma_wait3A_423 = arith.constant 0 : i32
    %dma_wait3A_424 = arith.constant 0 : i32
    %dma_wait3A_425 = tpu.memref_slice %arg7[%dma_wait3A_423, %dma_wait3A_424] : memref<256x128xf32, #tpu.memory_space<vmem>> -> memref<32x128xf32, #tpu.memory_space<vmem>>
    %dma_wait3A_426 = arith.constant 0 : i32
    %dma_wait3A_427 = tpu.memref_slice %arg5[%dma_wait3A_422, %add3A_157, %dma_wait3A_426] : memref<4x2048x128xf32, #tpu.memory_space<hbm>> -> memref<1x32x128xf32, #tpu.memory_space<hbm>>
    %dma_wait3A_428 = tpu.memref_squeeze %dma_wait3A_427 : memref<1x32x128xf32, #tpu.memory_space<hbm>> -> memref<32x128xf32, #tpu.memory_space<hbm>>
    %dma_wait3A_429 = arith.constant 0 : i32
    %dma_wait3A_430 = tpu.memref_slice %arg5[%dma_wait3A_422, %add3A_157, %dma_wait3A_429] : memref<4x2048x128xf32, #tpu.memory_space<hbm>> -> memref<1x32x128xf32, #tpu.memory_space<hbm>>
    %dma_wait3A_431 = tpu.memref_squeeze %dma_wait3A_430 : memref<1x32x128xf32, #tpu.memory_space<hbm>> -> memref<32x128xf32, #tpu.memory_space<hbm>>
    %dma_wait3A_432 = arith.constant 0 : i32
    %dma_wait3A_433 = arith.constant 0 : i32
    %dma_wait3A_434 = tpu.memref_slice %arg7[%dma_wait3A_432, %dma_wait3A_433] : memref<256x128xf32, #tpu.memory_space<vmem>> -> memref<32x128xf32, #tpu.memory_space<vmem>>
    tpu.wait_dma2 semaphore(%arg11 : memref<!tpu.dma_semaphore, #tpu.memory_space<semaphore_mem>>) src(%dma_wait3A_434 : memref<32x128xf32, #tpu.memory_space<vmem>>) dst(%dma_wait3A_431 : memref<32x128xf32, #tpu.memory_space<hbm>>)
    %dma_wait3A_435 = arith.constant 0 : i32
    %dma_wait3A_436 = arith.constant 32 : i32
    %dma_wait3A_437 = arith.constant 0 : i32
    %dma_wait3A_438 = tpu.memref_slice %arg7[%dma_wait3A_436, %dma_wait3A_437] : memref<256x128xf32, #tpu.memory_space<vmem>> -> memref<32x128xf32, #tpu.memory_space<vmem>>
    %dma_wait3A_439 = arith.constant 0 : i32
    %dma_wait3A_440 = tpu.memref_slice %arg5[%dma_wait3A_435, %add3A_182, %dma_wait3A_439] : memref<4x2048x128xf32, #tpu.memory_space<hbm>> -> memref<1x32x128xf32, #tpu.memory_space<hbm>>
    %dma_wait3A_441 = tpu.memref_squeeze %dma_wait3A_440 : memref<1x32x128xf32, #tpu.memory_space<hbm>> -> memref<32x128xf32, #tpu.memory_space<hbm>>
    %dma_wait3A_442 = arith.constant 0 : i32
    %dma_wait3A_443 = tpu.memref_slice %arg5[%dma_wait3A_435, %add3A_182, %dma_wait3A_442] : memref<4x2048x128xf32, #tpu.memory_space<hbm>> -> memref<1x32x128xf32, #tpu.memory_space<hbm>>
    %dma_wait3A_444 = tpu.memref_squeeze %dma_wait3A_443 : memref<1x32x128xf32, #tpu.memory_space<hbm>> -> memref<32x128xf32, #tpu.memory_space<hbm>>
    %dma_wait3A_445 = arith.constant 32 : i32
    %dma_wait3A_446 = arith.constant 0 : i32
    %dma_wait3A_447 = tpu.memref_slice %arg7[%dma_wait3A_445, %dma_wait3A_446] : memref<256x128xf32, #tpu.memory_space<vmem>> -> memref<32x128xf32, #tpu.memory_space<vmem>>
    tpu.wait_dma2 semaphore(%arg11 : memref<!tpu.dma_semaphore, #tpu.memory_space<semaphore_mem>>) src(%dma_wait3A_447 : memref<32x128xf32, #tpu.memory_space<vmem>>) dst(%dma_wait3A_444 : memref<32x128xf32, #tpu.memory_space<hbm>>)
    %dma_wait3A_448 = arith.constant 1 : i32
    %dma_wait3A_449 = arith.constant 64 : i32
    %dma_wait3A_450 = arith.constant 0 : i32
    %dma_wait3A_451 = tpu.memref_slice %arg7[%dma_wait3A_449, %dma_wait3A_450] : memref<256x128xf32, #tpu.memory_space<vmem>> -> memref<32x128xf32, #tpu.memory_space<vmem>>
    %dma_wait3A_452 = arith.constant 0 : i32
    %dma_wait3A_453 = tpu.memref_slice %arg5[%dma_wait3A_448, %add3A_245, %dma_wait3A_452] : memref<4x2048x128xf32, #tpu.memory_space<hbm>> -> memref<1x32x128xf32, #tpu.memory_space<hbm>>
    %dma_wait3A_454 = tpu.memref_squeeze %dma_wait3A_453 : memref<1x32x128xf32, #tpu.memory_space<hbm>> -> memref<32x128xf32, #tpu.memory_space<hbm>>
    %dma_wait3A_455 = arith.constant 0 : i32
    %dma_wait3A_456 = tpu.memref_slice %arg5[%dma_wait3A_448, %add3A_245, %dma_wait3A_455] : memref<4x2048x128xf32, #tpu.memory_space<hbm>> -> memref<1x32x128xf32, #tpu.memory_space<hbm>>
    %dma_wait3A_457 = tpu.memref_squeeze %dma_wait3A_456 : memref<1x32x128xf32, #tpu.memory_space<hbm>> -> memref<32x128xf32, #tpu.memory_space<hbm>>
    %dma_wait3A_458 = arith.constant 64 : i32
    %dma_wait3A_459 = arith.constant 0 : i32
    %dma_wait3A_460 = tpu.memref_slice %arg7[%dma_wait3A_458, %dma_wait3A_459] : memref<256x128xf32, #tpu.memory_space<vmem>> -> memref<32x128xf32, #tpu.memory_space<vmem>>
    tpu.wait_dma2 semaphore(%arg11 : memref<!tpu.dma_semaphore, #tpu.memory_space<semaphore_mem>>) src(%dma_wait3A_460 : memref<32x128xf32, #tpu.memory_space<vmem>>) dst(%dma_wait3A_457 : memref<32x128xf32, #tpu.memory_space<hbm>>)
    %dma_wait3A_461 = arith.constant 1 : i32
    %dma_wait3A_462 = arith.constant 96 : i32
    %dma_wait3A_463 = arith.constant 0 : i32
    %dma_wait3A_464 = tpu.memref_slice %arg7[%dma_wait3A_462, %dma_wait3A_463] : memref<256x128xf32, #tpu.memory_space<vmem>> -> memref<32x128xf32, #tpu.memory_space<vmem>>
    %dma_wait3A_465 = arith.constant 0 : i32
    %dma_wait3A_466 = tpu.memref_slice %arg5[%dma_wait3A_461, %add3A_270, %dma_wait3A_465] : memref<4x2048x128xf32, #tpu.memory_space<hbm>> -> memref<1x32x128xf32, #tpu.memory_space<hbm>>
    %dma_wait3A_467 = tpu.memref_squeeze %dma_wait3A_466 : memref<1x32x128xf32, #tpu.memory_space<hbm>> -> memref<32x128xf32, #tpu.memory_space<hbm>>
    %dma_wait3A_468 = arith.constant 0 : i32
    %dma_wait3A_469 = tpu.memref_slice %arg5[%dma_wait3A_461, %add3A_270, %dma_wait3A_468] : memref<4x2048x128xf32, #tpu.memory_space<hbm>> -> memref<1x32x128xf32, #tpu.memory_space<hbm>>
    %dma_wait3A_470 = tpu.memref_squeeze %dma_wait3A_469 : memref<1x32x128xf32, #tpu.memory_space<hbm>> -> memref<32x128xf32, #tpu.memory_space<hbm>>
    %dma_wait3A_471 = arith.constant 96 : i32
    %dma_wait3A_472 = arith.constant 0 : i32
    %dma_wait3A_473 = tpu.memref_slice %arg7[%dma_wait3A_471, %dma_wait3A_472] : memref<256x128xf32, #tpu.memory_space<vmem>> -> memref<32x128xf32, #tpu.memory_space<vmem>>
    tpu.wait_dma2 semaphore(%arg11 : memref<!tpu.dma_semaphore, #tpu.memory_space<semaphore_mem>>) src(%dma_wait3A_473 : memref<32x128xf32, #tpu.memory_space<vmem>>) dst(%dma_wait3A_470 : memref<32x128xf32, #tpu.memory_space<hbm>>)
    %dma_wait3A_474 = arith.constant 2 : i32
    %dma_wait3A_475 = arith.constant 128 : i32
    %dma_wait3A_476 = arith.constant 0 : i32
    %dma_wait3A_477 = tpu.memref_slice %arg7[%dma_wait3A_475, %dma_wait3A_476] : memref<256x128xf32, #tpu.memory_space<vmem>> -> memref<32x128xf32, #tpu.memory_space<vmem>>
    %dma_wait3A_478 = arith.constant 0 : i32
    %dma_wait3A_479 = tpu.memref_slice %arg5[%dma_wait3A_474, %add3A_333, %dma_wait3A_478] : memref<4x2048x128xf32, #tpu.memory_space<hbm>> -> memref<1x32x128xf32, #tpu.memory_space<hbm>>
    %dma_wait3A_480 = tpu.memref_squeeze %dma_wait3A_479 : memref<1x32x128xf32, #tpu.memory_space<hbm>> -> memref<32x128xf32, #tpu.memory_space<hbm>>
    %dma_wait3A_481 = arith.constant 0 : i32
    %dma_wait3A_482 = tpu.memref_slice %arg5[%dma_wait3A_474, %add3A_333, %dma_wait3A_481] : memref<4x2048x128xf32, #tpu.memory_space<hbm>> -> memref<1x32x128xf32, #tpu.memory_space<hbm>>
    %dma_wait3A_483 = tpu.memref_squeeze %dma_wait3A_482 : memref<1x32x128xf32, #tpu.memory_space<hbm>> -> memref<32x128xf32, #tpu.memory_space<hbm>>
    %dma_wait3A_484 = arith.constant 128 : i32
    %dma_wait3A_485 = arith.constant 0 : i32
    %dma_wait3A_486 = tpu.memref_slice %arg7[%dma_wait3A_484, %dma_wait3A_485] : memref<256x128xf32, #tpu.memory_space<vmem>> -> memref<32x128xf32, #tpu.memory_space<vmem>>
    tpu.wait_dma2 semaphore(%arg11 : memref<!tpu.dma_semaphore, #tpu.memory_space<semaphore_mem>>) src(%dma_wait3A_486 : memref<32x128xf32, #tpu.memory_space<vmem>>) dst(%dma_wait3A_483 : memref<32x128xf32, #tpu.memory_space<hbm>>)
    %dma_wait3A_487 = arith.constant 2 : i32
    %dma_wait3A_488 = arith.constant 160 : i32
    %dma_wait3A_489 = arith.constant 0 : i32
    %dma_wait3A_490 = tpu.memref_slice %arg7[%dma_wait3A_488, %dma_wait3A_489] : memref<256x128xf32, #tpu.memory_space<vmem>> -> memref<32x128xf32, #tpu.memory_space<vmem>>
    %dma_wait3A_491 = arith.constant 0 : i32
    %dma_wait3A_492 = tpu.memref_slice %arg5[%dma_wait3A_487, %add3A_358, %dma_wait3A_491] : memref<4x2048x128xf32, #tpu.memory_space<hbm>> -> memref<1x32x128xf32, #tpu.memory_space<hbm>>
    %dma_wait3A_493 = tpu.memref_squeeze %dma_wait3A_492 : memref<1x32x128xf32, #tpu.memory_space<hbm>> -> memref<32x128xf32, #tpu.memory_space<hbm>>
    %dma_wait3A_494 = arith.constant 0 : i32
    %dma_wait3A_495 = tpu.memref_slice %arg5[%dma_wait3A_487, %add3A_358, %dma_wait3A_494] : memref<4x2048x128xf32, #tpu.memory_space<hbm>> -> memref<1x32x128xf32, #tpu.memory_space<hbm>>
    %dma_wait3A_496 = tpu.memref_squeeze %dma_wait3A_495 : memref<1x32x128xf32, #tpu.memory_space<hbm>> -> memref<32x128xf32, #tpu.memory_space<hbm>>
    %dma_wait3A_497 = arith.constant 160 : i32
    %dma_wait3A_498 = arith.constant 0 : i32
    %dma_wait3A_499 = tpu.memref_slice %arg7[%dma_wait3A_497, %dma_wait3A_498] : memref<256x128xf32, #tpu.memory_space<vmem>> -> memref<32x128xf32, #tpu.memory_space<vmem>>
    tpu.wait_dma2 semaphore(%arg11 : memref<!tpu.dma_semaphore, #tpu.memory_space<semaphore_mem>>) src(%dma_wait3A_499 : memref<32x128xf32, #tpu.memory_space<vmem>>) dst(%dma_wait3A_496 : memref<32x128xf32, #tpu.memory_space<hbm>>)
    %dma_wait3A_500 = arith.constant 3 : i32
    %dma_wait3A_501 = arith.constant 192 : i32
    %dma_wait3A_502 = arith.constant 0 : i32
    %dma_wait3A_503 = tpu.memref_slice %arg7[%dma_wait3A_501, %dma_wait3A_502] : memref<256x128xf32, #tpu.memory_space<vmem>> -> memref<32x128xf32, #tpu.memory_space<vmem>>
    %dma_wait3A_504 = arith.constant 0 : i32
    %dma_wait3A_505 = tpu.memref_slice %arg5[%dma_wait3A_500, %add3A_383, %dma_wait3A_504] : memref<4x2048x128xf32, #tpu.memory_space<hbm>> -> memref<1x32x128xf32, #tpu.memory_space<hbm>>
    %dma_wait3A_506 = tpu.memref_squeeze %dma_wait3A_505 : memref<1x32x128xf32, #tpu.memory_space<hbm>> -> memref<32x128xf32, #tpu.memory_space<hbm>>
    %dma_wait3A_507 = arith.constant 0 : i32
    %dma_wait3A_508 = tpu.memref_slice %arg5[%dma_wait3A_500, %add3A_383, %dma_wait3A_507] : memref<4x2048x128xf32, #tpu.memory_space<hbm>> -> memref<1x32x128xf32, #tpu.memory_space<hbm>>
    %dma_wait3A_509 = tpu.memref_squeeze %dma_wait3A_508 : memref<1x32x128xf32, #tpu.memory_space<hbm>> -> memref<32x128xf32, #tpu.memory_space<hbm>>
    %dma_wait3A_510 = arith.constant 192 : i32
    %dma_wait3A_511 = arith.constant 0 : i32
    %dma_wait3A_512 = tpu.memref_slice %arg7[%dma_wait3A_510, %dma_wait3A_511] : memref<256x128xf32, #tpu.memory_space<vmem>> -> memref<32x128xf32, #tpu.memory_space<vmem>>
    tpu.wait_dma2 semaphore(%arg11 : memref<!tpu.dma_semaphore, #tpu.memory_space<semaphore_mem>>) src(%dma_wait3A_512 : memref<32x128xf32, #tpu.memory_space<vmem>>) dst(%dma_wait3A_509 : memref<32x128xf32, #tpu.memory_space<hbm>>)
    %dma_wait3A_513 = arith.constant 3 : i32
    %dma_wait3A_514 = arith.constant 224 : i32
    %dma_wait3A_515 = arith.constant 0 : i32
    %dma_wait3A_516 = tpu.memref_slice %arg7[%dma_wait3A_514, %dma_wait3A_515] : memref<256x128xf32, #tpu.memory_space<vmem>> -> memref<32x128xf32, #tpu.memory_space<vmem>>
    %dma_wait3A_517 = arith.constant 0 : i32
    %dma_wait3A_518 = tpu.memref_slice %arg5[%dma_wait3A_513, %add3A_408, %dma_wait3A_517] : memref<4x2048x128xf32, #tpu.memory_space<hbm>> -> memref<1x32x128xf32, #tpu.memory_space<hbm>>
    %dma_wait3A_519 = tpu.memref_squeeze %dma_wait3A_518 : memref<1x32x128xf32, #tpu.memory_space<hbm>> -> memref<32x128xf32, #tpu.memory_space<hbm>>
    %dma_wait3A_520 = arith.constant 0 : i32
    %dma_wait3A_521 = tpu.memref_slice %arg5[%dma_wait3A_513, %add3A_408, %dma_wait3A_520] : memref<4x2048x128xf32, #tpu.memory_space<hbm>> -> memref<1x32x128xf32, #tpu.memory_space<hbm>>
    %dma_wait3A_522 = tpu.memref_squeeze %dma_wait3A_521 : memref<1x32x128xf32, #tpu.memory_space<hbm>> -> memref<32x128xf32, #tpu.memory_space<hbm>>
    %dma_wait3A_523 = arith.constant 224 : i32
    %dma_wait3A_524 = arith.constant 0 : i32
    %dma_wait3A_525 = tpu.memref_slice %arg7[%dma_wait3A_523, %dma_wait3A_524] : memref<256x128xf32, #tpu.memory_space<vmem>> -> memref<32x128xf32, #tpu.memory_space<vmem>>
    tpu.wait_dma2 semaphore(%arg11 : memref<!tpu.dma_semaphore, #tpu.memory_space<semaphore_mem>>) src(%dma_wait3A_525 : memref<32x128xf32, #tpu.memory_space<vmem>>) dst(%dma_wait3A_522 : memref<32x128xf32, #tpu.memory_space<hbm>>)
    return
  }
}

</mosaic_0001>

<sc_bundles>
// kernel: kernel.3.cloned.1.call-start
scs
__scs_entry_jumppad:
0x0: {  	(pc) =	sbr.rel $0x88, $3  }
0x1: {  	(tag) =	ssettag $0x0;
	lr =	simm.s32 $0x1  }
0x2: {  	[smem:$0x3F9E] =	sst lr;
	_ =	strace $0xD0000000  }
0x3: {  	_ = 	snop  }
0x4: {  	_ = 	snop  }
0x5: {  	_ = 	snop  }
0x6: {  	_ = 	snop  }
0x7: {  	_ = 	snop  }
__scs_overlays_trampoline_lowered:
0x8: {  	[smem:$0x3FAD] =	sst s0  }
0x9: {  	[smem:$0x3FAE] =	sst s1  }
0xa: {  	[smem:$0x3FAF] =	sst s2  }
0xb: {  	[smem:$0x3FB0] =	sst s3  }
0xc: {  	[smem:$0x3FB1] =	sst s4  }
0xd: {  	[smem:$0x3FB2] =	sst s5  }
0xe: {  	[smem:$0x3FB3] =	sst s6  }
0xf: {  	[smem:$0x3FB4] =	sst s7  }
0x10: {  	[smem:$0x3FB5] =	sst s8  }
0x11: {  	[smem:$0x3FB6] =	sst s9;
	s0 =	simm.s32 @!p0 $0x0  }
0x12: {  	s1 =	sld [smem:$0x3F9C];
	s0 =	simm.s32 @p0 $0x1  }
0x13: {  	[smem:$0x3FB7] =	sst s0;
	s0 =	simm.s32 @!p1 $0x0  }
0x14: {  	s2 =	sld [smem:$0x3F9B];
	s0 =	simm.s32 @p1 $0x1  }
0x15: {  	[smem:$0x3FB8] =	sst s0;
	s0 =	simm.s32 @!p2 $0x0  }
0x16: {  	s3 =	sld [smem:$0x3FDB];
	s0 =	simm.s32 @p2 $0x1  }
0x17: {  	s4 =	simm.s32 $0x1BF5;
	[smem:$0x3FBA] =	sst s0  }
0x18: {  	s0 =	sld [smem:$0x3F9D];
	_ =	swait.ge [sflag:s4], $0x0  }
0x19: {  	s7 =	sld [smem:$0x3F9E]  }
0x1a: {  	s8 =	sadd.s32 $0xFFFFE003, lr  }
0x1b: {  	s9 =	sadd.s32 $0xFFFFFEF7, lr;
	s5 =	simm.s32 $0xFFFFFFFF;
	p2 =	slt.u32 s8, $0xFFFFF086  }
0x1c: {  	p1 =	slt.u32 s9, $0xF7A;
	s5 =	simm.s32 @!p2 $0x0  }
0x1d: {  	s5 =	simm.s32 @p1 $0x1;
	p0 =	seq.s32 s7, s2  }
0x1e: {  	s7 =	smul.u32 @!p0 $0xF7A, s2;
	p2 =	seq.s32 @!p0 s5, $0x0  }
0x1f: {  	s9 =	smul.u32 $0xF7A, s1;
	s8 =	simm.s32 @!p0 $0x1BF5;
	p2 =	por !p2, p0  }
0x20: {  	[sflag:s8] =	ssyncset.s32 @!p0 $0xFFFFF086;
	s6 =	sadd.s32 @!p0 s3, s7;
	s7 =	simm.s32 @!p0 $0x108  }
0x21: {  	s3 =	sadd.s32 s3, s9;
	s6 =	sadd.s32 @!p0 $0x88, s6;
	s7 =	simm.s32 @p2 $0x1082  }
0x22: {  	[simem:s7], [sflag:s8] =	dma.local @!p0 [hbm:s6], $0xF7A  }
0x23: {  	s9 =	sor.u32 $0xD0000000, s2;
	s6 =	simm.s32 $0x108;
	_ =	swait.ge @!p0 [sflag:s8], $0x0  }
0x24: {  	s3 =	sadd.s32 $0x88, s3;
	s6 =	simm.s32 @!p1 $0x1082;
	[sflag:s4] =	ssyncset.s32 $0xFFFFF086  }
0x25: {  	[simem:s6], [sflag:s4] =	dma.local [hbm:s3], $0xF7A  }
0x26: {  	[smem:$0x3F9E] =	sst s1;
	(tag) =	ssettag s2;
	_ =	strace s9  }
0x27: {  	s1 =	sld [smem:$0x3FAE]  }
0x28: {  	s2 =	sld [smem:$0x3FAF]  }
0x29: {  	s4 =	sld [smem:$0x3FB1]  }
0x2a: {  	p0 =	seq.s32 s5, $0x0;
	s5 =	sld [smem:$0x3FB2]  }
0x2b: {  	s6 =	sld [smem:$0x3FB3]  }
0x2c: {  	s7 =	sld [smem:$0x3FB4]  }
0x2d: {  	s3 =	simm.s32 $0x108;
	s8 =	sld [smem:$0x3FB5]  }
0x2e: {  	s3 =	simm.s32 @!p0 $0x1082;
	s9 =	sld [smem:$0x3FB6]  }
0x2f: {  	lr =	sadd.s32 s0, s3;
	s0 =	sld [smem:$0x3FAD]  }
0x30: {  	s3 =	sld [smem:$0x3FB0]  }
0x31: {  	[smem:$0x3FB9] =	sst s10  }
0x32: {  	s10 =	sld [smem:$0x3FB7];
	_ =	sdelay $0x3  }
0x33: {  	p0 =	seq.s32 s10, $0x1;
	s10 =	sld [smem:$0x3FB9];
	_ =	sdelay $0x3  }
0x34: {  	[smem:$0x3FB9] =	sst s10  }
0x35: {  	s10 =	sld [smem:$0x3FB8];
	_ =	sdelay $0x3  }
0x36: {  	p1 =	seq.s32 s10, $0x1;
	s10 =	sld [smem:$0x3FB9];
	_ =	sdelay $0x3  }
0x37: {  	[smem:$0x3FB9] =	sst s10  }
0x38: {  	s10 =	sld [smem:$0x3FBA]  }
0x39: {  	_ = 	snop;
	(pc) =	sbr.ind lr, $3  }
0x3a: {  	_ = 	snop  }
0x3b: {  	_ = 	snop  }
0x3c: {  	p2 =	seq.s32 s10, $0x1;
	s10 =	sld [smem:$0x3FB9]  }
0x3d: {  	_ =	shalt  }
0x3e: {  	_ =	shalt  }
0x3f: {  	_ =	shalt  }
0x40: {  	_ =	shalt  }
0x41: {  	_ =	shalt  }
0x42: {  	_ =	shalt  }
0x43: {  	_ =	shalt  }
0x44: {  	_ =	shalt  }
0x45: {  	_ =	shalt  }
0x46: {  	_ =	shalt  }
0x47: {  	_ =	shalt  }
0x48: {  	_ =	shalt  }
0x49: {  	_ =	shalt  }
0x4a: {  	_ =	shalt  }
0x4b: {  	_ =	shalt  }
0x4c: {  	_ =	shalt  }
0x4d: {  	_ =	shalt  }
0x4e: {  	_ =	shalt  }
0x4f: {  	_ =	shalt  }
0x50: {  	_ =	shalt  }
0x51: {  	_ =	shalt  }
0x52: {  	_ =	shalt  }
0x53: {  	_ =	shalt  }
0x54: {  	_ =	shalt  }
0x55: {  	_ =	shalt  }
0x56: {  	_ =	shalt  }
0x57: {  	_ =	shalt  }
0x58: {  	_ =	shalt  }
0x59: {  	_ =	shalt  }
0x5a: {  	_ =	shalt  }
0x5b: {  	_ =	shalt  }
0x5c: {  	_ =	shalt  }
0x5d: {  	_ =	shalt  }
0x5e: {  	_ =	shalt  }
0x5f: {  	_ =	shalt  }
0x60: {  	_ =	shalt  }
0x61: {  	_ =	shalt  }
0x62: {  	_ =	shalt  }
0x63: {  	_ =	shalt  }
0x64: {  	_ =	shalt  }
0x65: {  	_ =	shalt  }
0x66: {  	_ =	shalt  }
0x67: {  	_ =	shalt  }
0x68: {  	_ =	shalt  }
0x69: {  	_ =	shalt  }
0x6a: {  	_ =	shalt  }
0x6b: {  	_ =	shalt  }
0x6c: {  	_ =	shalt  }
0x6d: {  	_ =	shalt  }
0x6e: {  	_ =	shalt  }
0x6f: {  	_ =	shalt  }
0x70: {  	_ =	shalt  }
0x71: {  	_ =	shalt  }
0x72: {  	_ =	shalt  }
0x73: {  	_ =	shalt  }
0x74: {  	_ =	shalt  }
0x75: {  	_ =	shalt  }
0x76: {  	_ =	shalt  }
0x77: {  	_ =	shalt  }
0x78: {  	_ =	shalt  }
0x79: {  	_ =	shalt  }
0x7a: {  	_ =	shalt  }
0x7b: {  	_ =	shalt  }
0x7c: {  	_ =	shalt  }
0x7d: {  	_ =	shalt  }
0x7e: {  	_ =	shalt  }
0x7f: {  	_ =	shalt  }
0x80: {  	_ =	shalt  }
0x81: {  	_ =	shalt  }
0x82: {  	_ =	shalt  }
0x83: {  	_ =	shalt  }
0x84: {  	_ =	shalt  }
0x85: {  	_ =	shalt  }
0x86: {  	_ =	shalt  }
0x87: {  	_ =	shalt  }
.Lfunc_end0:
.L_simem_size_0:
called_computation_lowered:
.L_overlay_start_0:
0x88: {  	s2 =	sld [smem:$0x3FD9]  }
0x89: {  	s3 =	sld [smem:$0x3FFE];
	_ =	sdelay $0x1  }
0x8a: {  	s1 =	srdreg.scid  }
0x8b: {  	s0 =	sand.u32 $0x1, s1  }
0x8c: {  	s18 =	sshll.u32 s0, $0xA;
	s2 =	sadd.s32 s3, s2  }
0x8d: {  	s2 =	sadd.s32 s2, s18  }
0x8e: {  	[smem:$0x3FC5] =	sst s2  }
0x8f: {  	_ = 	snop  }
0x90: {  	s2 =	sld [smem:$0x3FC9]  }
0x91: {  	s19 =	sld [smem:$0x3FC8]  }
0x92: {  	s4 =	sld [smem:$0x3FC7]  }
0x93: {  	s5 =	sld [smem:$0x3FD0];
	(tm) =	ssettm $0x1  }
0x94: {  	s6 =	sld [smem:$0x3FFB];
	_ =	sdelay $0x3  }
0x95: {  	_ =	strace s6  }
0x96: {  	s6 =	sld [smem:$0x3FFC];
	_ =	sdelay $0x3  }
0x97: {  	_ =	strace s6  }
0x98: {  	s6 =	sld [smem:$0x3FFD];
	_ =	sdelay $0x3  }
0x99: {  	_ =	strace s6  }
0x9a: {  	_ =	strace $0x8FFFFFFF  }
0x9b: {  	s20 =	sld [smem:$0x3FDB];
	_ =	sdelay $0x1  }
0x9c: {  	s7 =	simm.s32 $_scs_section_size  }
0x9d: {  	s8 =	simm.s32 $_size__tile_overlayer_lowered;
	s9 =	simm.s32 $_tile_overlayer_lowered  }
0x9e: {  	s23 =	simm.s32 $0x1BFF;
	s22 =	sshll.u32 s9, $0x1;
	s6 =	sadd.s32 s7, s20  }
0x9f: {  	s10 =	simm.s32 $0x0;
	s21 =	sshll.u32 s8, $0x1;
	s8 =	sadd.s32 s22, s6  }
0xa0: {  	[timem:s10], [sflag:s23] =	dma.local [hbm:s8], s21  }
0xa1: {  	_ =	swait.ge [sflag:s23], s21  }
0xa2: {  	s7 =	ssub.s32 $0x0, s21;
	[sflag:s23] =	ssyncset.done $0x0  }
0xa3: {  	[sflag:s23] =	ssyncadd.s32 s7;
	_ =	sdelay $0x1  }
0xa4: {  	s24 =	simm.s32 $0x1B8B  }
0xa5: {  	_ =	swait.ge [sflag:s24], $0x1  }
0xa6: {  	[sflag:s24] =	ssyncset.done $0x0  }
0xa7: {  	s25 =	simm.s32 $0x1B8E;
	[sflag:s24] =	ssyncadd.s32 $0xFFFFFFFF  }
0xa8: {  	s26 =	simm.s32 $execute0_lowered;
	[smem:$0x3FD2] =	sst s25  }
0xa9: {  	s7 =	sshll.u32 s26, $0x1;
	_ =	strace $0x80000046;
	[dreg:$0x1] =	wrdreg $0xFFFFFFFF  }
0xaa: {  	s28 =	simm.s32 $_size_execute0_lowered;
	s6 =	sadd.s32 s6, s7;
	[dreg:$0x0] =	wrdreg $0x0  }
0xab: {  	s7 =	sshll.u32 s28, $0x1;
	[dreg:$0x2] =	wrdreg s6  }
0xac: {  	[dreg:$0x3] =	wrdreg s7  }
0xad: {  	[dreg:$0x4] =	wrdreg $0xC0  }
0xae: {  	_ =	task [dreg:s10], $0x5FFFF  }
0xaf: {  	[dreg:$0x1] =	wrdreg $0xFFFFFFFF  }
0xb0: {  	[dreg:$0x0] =	wrdreg $0x60  }
0xb1: {  	[dreg:$0x2] =	wrdreg s2  }
0xb2: {  	[dreg:$0x3] =	wrdreg s19  }
0xb3: {  	[dreg:$0x4] =	wrdreg s4  }
0xb4: {  	[dreg:$0x5] =	wrdreg s5  }
0xb5: {  	[dreg:$0x6] =	wrdreg $0x9  }
0xb6: {  	_ =	task.clear_ibuf [dreg:s10], $0x7FFFF;
	_ =	strace $0x90000046  }
0xb7: {  	s29 =	simm.s32 $0x9;
	_ =	strace $0x80000048  }
0xb8: {  	_ =	swait.ge [sflag:s29], $0x1  }
0xb9: {  	[sflag:s29] =	ssyncadd.s32 $0xFFFFFFFF  }
0xba: {  	_ =	strace $0x90000048  }
0xbb: {  	_ =	sfence  }
0xbc: {  	s30 =	sld [smem:$0x0];
	_ =	sdelay $0x2  }
0xbd: {  	s31 =	sshll.u32 s1, $0xD;
	s1 =	sshrl.u32 s1, $0x2  }
0xbe: {  	s3 =	sand.u32 $0x4000, s31;
	s1 =	sadd.s32 s1, s30  }
0xbf: {  	s0 =	sor.u32 s3, s0;
	s1 =	sshll.u32 s1, $0x11  }
0xc0: {  	s0 =	sor.u32 s1, s0  }
0xc1: {  	s0 =	sadd.s32 $0x8F2B, s0  }
0xc2: {  	[sflag:s0] =	ssyncadd.remote.s32 $0x1  }
0xc3: {  	_ =	sfence.sel $0xFFFF  }
0xc4: {  	[dreg:$0x0] =	wrdreg $0xFFFFFFFF;
	(pc) =	sbr.abs _section_cstart, $3  }
0xc5: {  	[dreg:$0x1] =	wrdreg $0xFFFFFFFF  }
0xc6: {  	_ =	task.clear_ibuf [dreg:s10], $0x2FFFF;
	_ =	strace $0x9FFFFFFF  }
0xc7: {  	(tm) =	ssettm $0x7FFFFFFF  }
tec
execute0_lowered:
.L_overlay_start_1:
0x0: {  	(tag) =	ssettag $0x1  }
0x1: {  	s0 =	rddreg [dreg:$0x0]  }
0x2: {  	s1 =	rddreg [dreg:$0x1]  }
0x3: {  	s2 =	srdreg.scid;
	s4 =	rddreg [dreg:$0x2]  }
0x4: {  	s3 =	stileid.u32;
	s6 =	rddreg [dreg:$0x3];
	s28 =	simm.s32 $0x2  }
0x5: {  	s29 =	simm.s32 $0x5;
	s30 =	simm.s32 $0x2200;
	s31 =	simm.s32 $0x6  }
0x6: {  	s11 =	simm.s32 $0x6200;
	s12 =	simm.s32 $0x7200;
	s2 =	sand.u32 $0x1, s2  }
0x7: {  	s13 =	simm.s32 $0xD;
	s3 =	sshll.u32 s3, $0x7;
	s5 =	sshll.u32 s2, $0x6  }
0x8: {  	s14 =	simm.s32 $0xF;
	s2 =	ssub.s32 $0x2, s2;
	s7 =	sor.u32 s5, s3  }
0x9: {  	s3 =	simm.s32 $0x0;
	s10 =	sshrl.u32 s2, $0x1;
	s8 =	sshll.u32 s7, $0x2  }
0xa: {  	[smem:$0x7FF] =	sst s3;
	s2 =	ssub.s32 s2, s10;
	s17 =	sshll.u32 s7, $0x4  }
0xb: {  	s10 =	simm.s32 $0xB;
	s7 =	sadd.s32 s6, s17;
	s26 =	smax.u32 s2, $0x1  }
0xc: {  	_ =	strace $0x80000047;
	s19 =	sadd.s32 $0x200, s7;
	[dreg:$0x10] =	wrdreg s26  }
0xd: {  	s9 =	sand.u32 $0x1E00, s8;
	s20 =	sadd.s32 $0x8000, s7;
	[dreg:$0x9] =	wrdreg s19  }
0xe: {  	s2 =	simm.s32 $0x3200;
	s21 =	sadd.s32 $0x8200, s7;
	[dreg:$0xa] =	wrdreg s20  }
0xf: {  	s6 =	simm.s32 $0x5200;
	s22 =	sadd.s32 $0x10000, s7;
	[dreg:$0xb] =	wrdreg s21  }
0x10: {  	s9 =	sor.u32 s5, s9;
	s23 =	sadd.s32 $0x10200, s7;
	[dreg:$0xc] =	wrdreg s22  }
0x11: {  	s5 =	sor.u32 s5, s8;
	s24 =	sadd.s32 $0x18000, s7;
	[dreg:$0xd] =	wrdreg s23  }
0x12: {  	s25 =	sadd.s32 $0x18200, s7;
	s26 =	simm.s32 $0x180;
	[dreg:$0xe] =	wrdreg s24  }
0x13: {  	s9 =	sshrl.u32 s9, $0x3;
	s5 =	sshrl.u32 s5, $0x3;
	[dreg:$0xf] =	wrdreg s25  }
0x14: {  	s21 =	simm.s32 $0x200;
	s23 =	simm.s32 $0x1;
	s24 =	simm.s32 $0x4  }
0x15: {  	s25 =	simm.s32 $0x20;
	s22 =	simm.s32 $0x9;
	s19 =	simm.s32 $0xE  }
0x16: {  	s20 =	simm.s32 $0x3;
	s15 =	sadd.s32 s0, s9;
	s16 =	sor.u32 $0x20, s5  }
0x17: {  	s5 =	sor.u32 $0x30, s5;
	[dreg:$0x5] =	wrdreg s15;
	s8 =	sadd.s32 $0x10, s15  }
0x18: {  	s9 =	sadd.s32 s4, s17;
	s18 =	sadd.s32 s0, s16;
	[dreg:$0x6] =	wrdreg s8  }
0x19: {  	s4 =	simm.s32 $0x7;
	s0 =	sadd.s32 s0, s5;
	[dreg:$0x7] =	wrdreg s18  }
0x1a: {  	s5 =	simm.s32 $0x4200;
	s15 =	simm.s32 $0x0;
	[dreg:$0x8] =	wrdreg s0  }
0x1b: {  	s0 =	simm.s32 $0x8;
	s8 =	simm.s32 $0xA;
	s18 =	simm.s32 $0xC  }
.LBB2_1:
0x1c: {  	s16 =	rddreg [dreg:$0x5]  }
0x1d: {  	[tilespmem:s3], [sflag:$0x4] =	stream.linear.gather [hbm4b:s16+s3], $0x40, $0x38;
	[tilespmem:$0xA200] =	vst v63  }
0x1e: {  	s17 =	simm.s32 $0x80;
	s16 =	rddreg [dreg:$0x6]  }
0x1f: {  	[tilespmem:s17], [sflag:$0x5] =	stream.linear.gather [hbm4b:s16+s3], $0x40, $0x38;
	[tilespmem:$0xA200] =	vst v63  }
0x20: {  	s16 =	rddreg [dreg:$0x7];
	s17 =	simm.s32 $0x100  }
0x21: {  	[tilespmem:s17], [sflag:$0x6] =	stream.linear.gather [hbm4b:s16+s3], $0x40, $0x38;
	[tilespmem:$0xA200] =	vst v63  }
0x22: {  	s17 =	rddreg [dreg:$0x8]  }
0x23: {  	[tilespmem:s26], [sflag:$0x7] =	stream.linear.gather [hbm4b:s17+s3], $0x40, $0x38;
	[tilespmem:$0xA200] =	vst v63  }
0x24: {  	_ = 	snop  }
0x25: {  	[tilespmem:s21], [sflag:$0x1] =	stream.linear.gather [hbm4b:s9+s3], $0x2000, $0x38;
	[tilespmem:$0xA200] =	vst v63  }
0x26: {  	s17 =	simm.s32 $0x8200  }
0x27: {  	[tilespmem:s17], [sflag:$0x2] =	stream.linear.gather [hbm4b:s9+s3], $0x2000, $0x38;
	[tilespmem:$0xA200] =	vst v63  }
0x28: {  	_ =	swait.ge [sflag:s23], $0x2000  }
0x29: {  	[sflag:s23] =	ssyncset.done $0x0  }
0x2a: {  	[sflag:s23] =	ssyncadd.s32 $0xFFFFE000  }
0x2b: {  	_ =	swait.ge [sflag:s24], $0x40  }
0x2c: {  	[sflag:s24] =	ssyncset.done $0x0  }
0x2d: {  	[sflag:s24] =	ssyncadd.s32 $0xFFFFFFC0  }
0x2e: {  	[tilespmem:s21], [sflag:$0x8] =	stream.indirect.gather.add.f32 [hbm:s1], $0x80, s3, s25, $0xb8;
	[tilespmem:$0xA200] =	vst v63  }
0x2f: {  	s26 =	simm.s32 $0x1200  }
0x30: {  	[tilespmem:s26], [sflag:$0x9] =	stream.indirect.gather.add.f32 [hbm:s1], $0x80, s25, s25, $0xb8;
	[tilespmem:$0xA200] =	vst v63  }
0x31: {  	_ =	swait.ge [sflag:s28], $0x2000  }
0x32: {  	[sflag:s28] =	ssyncset.done $0x0  }
0x33: {  	s16 =	simm.s32 $0x0;
	[sflag:s28] =	ssyncadd.s32 $0xFFFFE000  }
0x34: {  	v3 =	vld [tilespmem:s16+$0x8270]  }
0x35: {  	v4 =	vld [tilespmem:s16+$0x8200]  }
0x36: {  	v5 =	vld [tilespmem:s16+$0x8210]  }
0x37: {  	v2 =	vld [tilespmem:s16+$0x8220]  }
0x38: {  	v0 =	vld [tilespmem:s16+$0x8230]  }
0x39: {  	v1 =	vld [tilespmem:s16+$0x8240];
	[tilespmem:s16+$0x2270] =	vst v3  }
0x3a: {  	[tilespmem:s16+$0x2200] =	vst v4;
	v3 =	vld [tilespmem:s16+$0x8250]  }
0x3b: {  	s17 =	simm.s32 $0x80;
	s26 =	simm.s32 $0x400;
	[tilespmem:s16+$0x2210] =	vst v5;
	v4 =	vld [tilespmem:s16+$0x8260]  }
.LBB2_2:
0x3c: {  	p0 =	sne.s32 s26, $0x7E00;
	v5 =	vld [tilespmem:s17+$0x8270];
	[tilespmem:s16+$0x2220] =	vst v2  }
0x3d: {  	v6 =	vld [tilespmem:s17+$0x8200];
	[tilespmem:s16+$0x2230] =	vst v0  }
0x3e: {  	v7 =	vld [tilespmem:s17+$0x8210];
	[tilespmem:s16+$0x2240] =	vst v1  }
.Ltmp0:
0x3f: {  	v2 =	vld [tilespmem:s17+$0x8220];
	[tilespmem:s16+$0x2250] =	vst v3;
	(pc) =	sbr.rel @p0 .LBB2_2-.Ltmp0, $4  }
0x40: {  	v0 =	vld [tilespmem:s17+$0x8230];
	[tilespmem:s16+$0x2260] =	vst v4;
	s16 =	smov.u32 s17  }
0x41: {  	v1 =	vld [tilespmem:s16+$0x8240];
	[tilespmem:s16+$0x2270] =	vst v5  }
0x42: {  	[tilespmem:s16+$0x2200] =	vst v6;
	v3 =	vld [tilespmem:s16+$0x8250]  }
0x43: {  	s17 =	sshra.s32 s26, $0x2;
	s26 =	sadd.s32 $0x200, s26;
	[tilespmem:s16+$0x2210] =	vst v7;
	v4 =	vld [tilespmem:s16+$0x8260]  }
0x44: {  	v5 =	vld [tilespmem:s17+$0x8270];
	[tilespmem:s16+$0x2220] =	vst v2  }
0x45: {  	v2 =	vld [tilespmem:s17+$0x8200];
	[tilespmem:s16+$0x2230] =	vst v0  }
0x46: {  	v0 =	vld [tilespmem:s17+$0x8210];
	[tilespmem:s16+$0x2240] =	vst v1  }
0x47: {  	v1 =	vld [tilespmem:s17+$0x8220];
	[tilespmem:s16+$0x2250] =	vst v3  }
0x48: {  	v3 =	vld [tilespmem:s17+$0x8230];
	[tilespmem:s16+$0x2260] =	vst v4  }
0x49: {  	v4 =	vld [tilespmem:s17+$0x8240];
	[tilespmem:s17+$0x2270] =	vst v5  }
0x4a: {  	[tilespmem:s17+$0x2200] =	vst v2;
	v2 =	vld [tilespmem:s17+$0x8250]  }
0x4b: {  	[tilespmem:s17+$0x2210] =	vst v0;
	v0 =	vld [tilespmem:s17+$0x8260]  }
0x4c: {  	[tilespmem:s17+$0x2220] =	vst v1  }
0x4d: {  	[tilespmem:s17+$0x2230] =	vst v3  }
0x4e: {  	[tilespmem:s17+$0x2240] =	vst v4  }
0x4f: {  	[tilespmem:s17+$0x2250] =	vst v2  }
0x50: {  	[tilespmem:s17+$0x2260] =	vst v0  }
0x51: {  	_ =	swait.ge [sflag:s29], $0x40  }
0x52: {  	[sflag:s29] =	ssyncset.done $0x0  }
0x53: {  	s17 =	simm.s32 $0x80;
	[sflag:s29] =	ssyncadd.s32 $0xFFFFFFC0  }
0x54: {  	[tilespmem:s30], [sflag:$0xA] =	stream.indirect.gather.add.f32 [hbm:s1], $0x80, s17, s25, $0xb8;
	[tilespmem:$0xA200] =	vst v63  }
0x55: {  	s26 =	simm.s32 $0xA0  }
0x56: {  	[tilespmem:s2], [sflag:$0xB] =	stream.indirect.gather.add.f32 [hbm:s1], $0x80, s26, s25, $0xb8;
	[tilespmem:$0xA200] =	vst v63  }
0x57: {  	_ =	swait.ge [sflag:s0], $0x1000  }
0x58: {  	[sflag:s0] =	ssyncset.done $0x0  }
0x59: {  	s16 =	simm.s32 $0x0;
	[sflag:s0] =	ssyncadd.s32 $0xFFFFF000  }
0x5a: {  	[hbm4b:s7+s16] =	stream.linear.scatter [tilespmem:s21], [sflag:$0x3], $0x1000, $0x38;
	[tilespmem:$0xA200] =	vst v63  }
0x5b: {  	_ =	swait.ge [sflag:s22], $0x1000  }
0x5c: {  	[sflag:s22] =	ssyncset.done $0x0  }
0x5d: {  	s26 =	simm.s32 $0x1200;
	s17 =	rddreg [dreg:$0x9];
	[sflag:s22] =	ssyncadd.s32 $0xFFFFF000  }
0x5e: {  	[hbm4b:s17+s16] =	stream.linear.scatter [tilespmem:s26], [sflag:$0x3], $0x1000, $0x38;
	[tilespmem:$0xA200] =	vst v63  }
0x5f: {  	s16 =	simm.s32 $0x0  }
0x60: {  	v3 =	vld [tilespmem:s16+$0x8270]  }
0x61: {  	v4 =	vld [tilespmem:s16+$0x8200]  }
0x62: {  	v5 =	vld [tilespmem:s16+$0x8210]  }
0x63: {  	v2 =	vld [tilespmem:s16+$0x8220]  }
0x64: {  	v0 =	vld [tilespmem:s16+$0x8230]  }
0x65: {  	v1 =	vld [tilespmem:s16+$0x8240];
	[tilespmem:s16+$0x4270] =	vst v3  }
0x66: {  	[tilespmem:s16+$0x4200] =	vst v4;
	v3 =	vld [tilespmem:s16+$0x8250]  }
0x67: {  	s17 =	simm.s32 $0x80;
	s26 =	simm.s32 $0x400;
	[tilespmem:s16+$0x4210] =	vst v5;
	v4 =	vld [tilespmem:s16+$0x8260]  }
.LBB2_4:
0x68: {  	p0 =	sne.s32 s26, $0x7E00;
	v5 =	vld [tilespmem:s17+$0x8270];
	[tilespmem:s16+$0x4220] =	vst v2  }
0x69: {  	v6 =	vld [tilespmem:s17+$0x8200];
	[tilespmem:s16+$0x4230] =	vst v0  }
0x6a: {  	v7 =	vld [tilespmem:s17+$0x8210];
	[tilespmem:s16+$0x4240] =	vst v1  }
.Ltmp1:
0x6b: {  	v2 =	vld [tilespmem:s17+$0x8220];
	[tilespmem:s16+$0x4250] =	vst v3;
	(pc) =	sbr.rel @p0 .LBB2_4-.Ltmp1, $4  }
0x6c: {  	v0 =	vld [tilespmem:s17+$0x8230];
	[tilespmem:s16+$0x4260] =	vst v4;
	s16 =	smov.u32 s17  }
0x6d: {  	v1 =	vld [tilespmem:s16+$0x8240];
	[tilespmem:s16+$0x4270] =	vst v5  }
0x6e: {  	[tilespmem:s16+$0x4200] =	vst v6;
	v3 =	vld [tilespmem:s16+$0x8250]  }
0x6f: {  	s17 =	sshra.s32 s26, $0x2;
	s26 =	sadd.s32 $0x200, s26;
	[tilespmem:s16+$0x4210] =	vst v7;
	v4 =	vld [tilespmem:s16+$0x8260]  }
0x70: {  	v5 =	vld [tilespmem:s17+$0x8270];
	[tilespmem:s16+$0x4220] =	vst v2  }
0x71: {  	v2 =	vld [tilespmem:s17+$0x8200];
	[tilespmem:s16+$0x4230] =	vst v0  }
0x72: {  	v0 =	vld [tilespmem:s17+$0x8210];
	[tilespmem:s16+$0x4240] =	vst v1  }
0x73: {  	v1 =	vld [tilespmem:s17+$0x8220];
	[tilespmem:s16+$0x4250] =	vst v3  }
0x74: {  	v3 =	vld [tilespmem:s17+$0x8230];
	[tilespmem:s16+$0x4260] =	vst v4  }
0x75: {  	v4 =	vld [tilespmem:s17+$0x8240];
	[tilespmem:s17+$0x4270] =	vst v5  }
0x76: {  	[tilespmem:s17+$0x4200] =	vst v2;
	v2 =	vld [tilespmem:s17+$0x8250]  }
0x77: {  	[tilespmem:s17+$0x4210] =	vst v0;
	v0 =	vld [tilespmem:s17+$0x8260]  }
0x78: {  	[tilespmem:s17+$0x4220] =	vst v1  }
0x79: {  	[tilespmem:s17+$0x4230] =	vst v3  }
0x7a: {  	[tilespmem:s17+$0x4240] =	vst v4  }
0x7b: {  	[tilespmem:s17+$0x4250] =	vst v2  }
0x7c: {  	[tilespmem:s17+$0x4260] =	vst v0  }
0x7d: {  	_ =	swait.ge [sflag:s31], $0x40  }
0x7e: {  	[sflag:s31] =	ssyncset.done $0x0  }
0x7f: {  	s26 =	simm.s32 $0x100;
	[sflag:s31] =	ssyncadd.s32 $0xFFFFFFC0  }
0x80: {  	[tilespmem:s5], [sflag:$0xC] =	stream.indirect.gather.add.f32 [hbm:s1], $0x80, s26, s25, $0xb8;
	[tilespmem:$0xA200] =	vst v63  }
0x81: {  	s17 =	simm.s32 $0x120  }
0x82: {  	[tilespmem:s6], [sflag:$0xD] =	stream.indirect.gather.add.f32 [hbm:s1], $0x80, s17, s25, $0xb8;
	[tilespmem:$0xA200] =	vst v63  }
0x83: {  	_ =	swait.ge [sflag:s8], $0x1000  }
0x84: {  	[sflag:s8] =	ssyncset.done $0x0  }
0x85: {  	s16 =	simm.s32 $0x0;
	s26 =	rddreg [dreg:$0xa];
	[sflag:s8] =	ssyncadd.s32 $0xFFFFF000  }
0x86: {  	[hbm4b:s26+s16] =	stream.linear.scatter [tilespmem:s30], [sflag:$0x3], $0x1000, $0x38;
	[tilespmem:$0xA200] =	vst v63  }
0x87: {  	_ =	swait.ge [sflag:s10], $0x1000  }
0x88: {  	[sflag:s10] =	ssyncset.done $0x0  }
0x89: {  	s26 =	rddreg [dreg:$0xb];
	[sflag:s10] =	ssyncadd.s32 $0xFFFFF000  }
0x8a: {  	[hbm4b:s26+s16] =	stream.linear.scatter [tilespmem:s2], [sflag:$0x3], $0x1000, $0x38;
	[tilespmem:$0xA200] =	vst v63  }
0x8b: {  	s16 =	simm.s32 $0x0  }
0x8c: {  	v3 =	vld [tilespmem:s16+$0x8270]  }
0x8d: {  	v4 =	vld [tilespmem:s16+$0x8200]  }
0x8e: {  	v5 =	vld [tilespmem:s16+$0x8210]  }
0x8f: {  	v2 =	vld [tilespmem:s16+$0x8220]  }
0x90: {  	v0 =	vld [tilespmem:s16+$0x8230]  }
0x91: {  	v1 =	vld [tilespmem:s16+$0x8240];
	[tilespmem:s16+$0x6270] =	vst v3  }
0x92: {  	[tilespmem:s16+$0x6200] =	vst v4;
	v3 =	vld [tilespmem:s16+$0x8250]  }
0x93: {  	s17 =	simm.s32 $0x80;
	s26 =	simm.s32 $0x400;
	[tilespmem:s16+$0x6210] =	vst v5;
	v4 =	vld [tilespmem:s16+$0x8260]  }
.LBB2_6:
0x94: {  	p0 =	sne.s32 s26, $0x7E00;
	v5 =	vld [tilespmem:s17+$0x8270];
	[tilespmem:s16+$0x6220] =	vst v2  }
0x95: {  	v6 =	vld [tilespmem:s17+$0x8200];
	[tilespmem:s16+$0x6230] =	vst v0  }
0x96: {  	v7 =	vld [tilespmem:s17+$0x8210];
	[tilespmem:s16+$0x6240] =	vst v1  }
.Ltmp2:
0x97: {  	v2 =	vld [tilespmem:s17+$0x8220];
	[tilespmem:s16+$0x6250] =	vst v3;
	(pc) =	sbr.rel @p0 .LBB2_6-.Ltmp2, $4  }
0x98: {  	v0 =	vld [tilespmem:s17+$0x8230];
	[tilespmem:s16+$0x6260] =	vst v4;
	s16 =	smov.u32 s17  }
0x99: {  	v1 =	vld [tilespmem:s16+$0x8240];
	[tilespmem:s16+$0x6270] =	vst v5  }
0x9a: {  	[tilespmem:s16+$0x6200] =	vst v6;
	v3 =	vld [tilespmem:s16+$0x8250]  }
0x9b: {  	s17 =	sshra.s32 s26, $0x2;
	s26 =	sadd.s32 $0x200, s26;
	[tilespmem:s16+$0x6210] =	vst v7;
	v4 =	vld [tilespmem:s16+$0x8260]  }
0x9c: {  	v5 =	vld [tilespmem:s17+$0x8270];
	[tilespmem:s16+$0x6220] =	vst v2  }
0x9d: {  	v2 =	vld [tilespmem:s17+$0x8200];
	[tilespmem:s16+$0x6230] =	vst v0  }
0x9e: {  	v0 =	vld [tilespmem:s17+$0x8210];
	[tilespmem:s16+$0x6240] =	vst v1  }
0x9f: {  	v1 =	vld [tilespmem:s17+$0x8220];
	[tilespmem:s16+$0x6250] =	vst v3  }
0xa0: {  	v3 =	vld [tilespmem:s17+$0x8230];
	[tilespmem:s16+$0x6260] =	vst v4  }
0xa1: {  	v4 =	vld [tilespmem:s17+$0x8240];
	[tilespmem:s17+$0x6270] =	vst v5  }
0xa2: {  	v62 =	vld [tilespmem:s17+$0x8250];
	[tilespmem:s17+$0x6200] =	vst v2  }
0xa3: {  	v63 =	vld [tilespmem:s17+$0x8260];
	[tilespmem:s17+$0x6210] =	vst v0  }
0xa4: {  	[tilespmem:s17+$0x6220] =	vst v1  }
0xa5: {  	[tilespmem:s17+$0x6230] =	vst v3  }
0xa6: {  	[tilespmem:s17+$0x6240] =	vst v4  }
0xa7: {  	[tilespmem:s17+$0x6250] =	vst v62  }
0xa8: {  	[tilespmem:s17+$0x6260] =	vst v63  }
0xa9: {  	_ =	swait.ge [sflag:s4], $0x40  }
0xaa: {  	[sflag:s4] =	ssyncset.done $0x0  }
0xab: {  	s26 =	simm.s32 $0x180;
	[sflag:s4] =	ssyncadd.s32 $0xFFFFFFC0  }
0xac: {  	[tilespmem:s11], [sflag:$0xE] =	stream.indirect.gather.add.f32 [hbm:s1], $0x80, s26, s25, $0xb8;
	[tilespmem:$0xA200] =	vst v63  }
0xad: {  	s17 =	simm.s32 $0x1A0  }
0xae: {  	[tilespmem:s12], [sflag:$0xF] =	stream.indirect.gather.add.f32 [hbm:s1], $0x80, s17, s25, $0xb8;
	[tilespmem:$0xA200] =	vst v63  }
0xaf: {  	_ =	swait.ge [sflag:s18], $0x1000  }
0xb0: {  	[sflag:s18] =	ssyncset.done $0x0  }
0xb1: {  	s17 =	rddreg [dreg:$0xc];
	[sflag:s18] =	ssyncadd.s32 $0xFFFFF000  }
0xb2: {  	[hbm4b:s17+s3] =	stream.linear.scatter [tilespmem:s5], [sflag:$0x3], $0x1000, $0x38;
	[tilespmem:$0xA200] =	vst v63  }
0xb3: {  	_ =	swait.ge [sflag:s13], $0x1000  }
0xb4: {  	[sflag:s13] =	ssyncset.done $0x0  }
0xb5: {  	s17 =	rddreg [dreg:$0xd];
	[sflag:s13] =	ssyncadd.s32 $0xFFFFF000  }
0xb6: {  	[hbm4b:s17+s3] =	stream.linear.scatter [tilespmem:s6], [sflag:$0x3], $0x1000, $0x38;
	[tilespmem:$0xA200] =	vst v63  }
0xb7: {  	_ =	swait.ge [sflag:s19], $0x1000  }
0xb8: {  	[sflag:s19] =	ssyncset.done $0x0  }
0xb9: {  	s17 =	rddreg [dreg:$0xe];
	[sflag:s19] =	ssyncadd.s32 $0xFFFFF000  }
0xba: {  	[hbm4b:s17+s3] =	stream.linear.scatter [tilespmem:s11], [sflag:$0x3], $0x1000, $0x38;
	[tilespmem:$0xA200] =	vst v63  }
0xbb: {  	_ =	swait.ge [sflag:s14], $0x1000  }
0xbc: {  	[sflag:s14] =	ssyncset.done $0x0  }
0xbd: {  	s17 =	rddreg [dreg:$0xf];
	[sflag:s14] =	ssyncadd.s32 $0xFFFFF000  }
0xbe: {  	[hbm4b:s17+s3] =	stream.linear.scatter [tilespmem:s12], [sflag:$0x3], $0x1000, $0x38;
	[tilespmem:$0xA200] =	vst v63  }
0xbf: {  	_ =	swait.ge [sflag:s20], $0x1000  }
0xc0: {  	[sflag:s20] =	ssyncset.done $0x0  }
0xc1: {  	[sflag:s20] =	ssyncadd.s32 $0xFFFFF000  }
0xc2: {  	_ =	swait.ge [sflag:s20], $0x1000  }
0xc3: {  	[sflag:s20] =	ssyncset.done $0x0  }
0xc4: {  	[sflag:s20] =	ssyncadd.s32 $0xFFFFF000  }
0xc5: {  	_ =	swait.ge [sflag:s20], $0x1000  }
0xc6: {  	[sflag:s20] =	ssyncset.done $0x0  }
0xc7: {  	[sflag:s20] =	ssyncadd.s32 $0xFFFFF000  }
0xc8: {  	_ =	swait.ge [sflag:s20], $0x1000  }
0xc9: {  	[sflag:s20] =	ssyncset.done $0x0  }
0xca: {  	[sflag:s20] =	ssyncadd.s32 $0xFFFFF000  }
0xcb: {  	_ =	swait.ge [sflag:s20], $0x1000  }
0xcc: {  	[sflag:s20] =	ssyncset.done $0x0  }
0xcd: {  	[sflag:s20] =	ssyncadd.s32 $0xFFFFF000  }
0xce: {  	_ =	swait.ge [sflag:s20], $0x1000  }
0xcf: {  	[sflag:s20] =	ssyncset.done $0x0  }
0xd0: {  	[sflag:s20] =	ssyncadd.s32 $0xFFFFF000  }
0xd1: {  	_ =	swait.ge [sflag:s20], $0x1000  }
0xd2: {  	[sflag:s20] =	ssyncset.done $0x0  }
0xd3: {  	[sflag:s20] =	ssyncadd.s32 $0xFFFFF000  }
0xd4: {  	_ =	swait.ge [sflag:s20], $0x1000  }
0xd5: {  	s15 =	sadd.s32 $0x1, s15;
	s17 =	rddreg [dreg:$0x10]  }
0xd6: {  	p0 =	sne.s32 s15, s17  }
.Ltmp3:
0xd7: {  	_ = 	snop;
	(pc) =	sbr.rel @p0 .LBB2_1-.Ltmp3, $3  }
0xd8: {  	_ =	sdelay $0x1  }
0xd9: {  	[sflag:s20] =	ssyncset.done $0x0  }
0xda: {  	[sflag:s20] =	ssyncadd.s32 $0xFFFFF000  }
0xdb: {  	_ =	sfence.sel $0x180000  }
0xdc: {  	[bflag:$0x0] =	sbarrier.arrive $0xFFFF  }
0xdd: {  	_ =	strace $0x90000047  }
0xde: {  	s0 =	stileid.u32;
	[bflag:$0x2] =	sbarrier.arrive $0xFFFF  }
0xdf: {  	p0 =	sne.s32 s0, $0x0;
	s0 =	rddreg [dreg:$0x4]  }
0xe0: {  	s0 =	sadd.s32 @!p0 $0x100000, s0  }
0xe1: {  	[sflag:s0] =	ssyncadd.tile.s32 @!p0 $0x1;
	_ =	shalt  }
.Lfunc_end2:
_tile_overlayer_lowered:
.L_overlay_start_2:
0xe2: {  	(tag) =	ssettag $0x2  }
0xe3: {  	s0 =	rddreg [dreg:$0x0];
	s2 =	stileid.u32  }
0xe4: {  	s1 =	rddreg [dreg:$0x1];
	p0 =	sne.s32 s2, $0x0  }
0xe5: {  	s3 =	rddreg [dreg:$0x2];
	[bflag:$0x3] =	sbarrier.arrive $0xFFFF;
	s2 =	simm.s32 @!p0 $0x1C10  }
0xe6: {  	[timem:s3], [sflag:s2] =	dma.local @!p0 [hbm:s0], s1  }
0xe7: {  	s0 =	simm.s32 @!p0 $0x10  }
0xe8: {  	_ =	swait.ge @!p0 [sflag:s0], s1  }
0xe9: {  	s1 =	ssub.s32 @!p0 $0x0, s1;
	[sflag:s0] =	ssyncset.done @!p0 $0x0  }
0xea: {  	[sflag:s0] =	ssyncadd.s32 @!p0 s1  }
0xeb: {  	[bflag:$0x3] =	sbarrier.arrive $0xFFFF  }
0xec: {  	_ =	shalt  }

</sc_bundles>
